<compile_context>
chip_gen: v7x
topology: tpu7x:2x2x1
jax: 0.10.2.dev20260603
libtpu: 0.0.44.dev20260713+nightly
codegen_flags: <defaults>
</compile_context>

<pallas_src>
import functools

import jax
import jax.numpy as jnp
from jax import lax
from jax.experimental import pallas as pl
from jax.experimental.pallas import tpu as pltpu
from jax.experimental.pallas import tpu_sc as plsc

_NBUF = 4
_PB = 4


def kernel(x, table):
    B, S = x.shape
    V, D = table.shape

    info = plsc.get_sparse_core_info()
    NC, NS = info.num_cores, info.num_subcores
    NW = NC * NS
    W = B // NW
    ST = S // 8
    NBT = B // 512

    assert W == 128 and D == 64 and S % 8 == 0 and B % 512 == 0
    assert (S - _NBUF) % _NBUF == 0 and S >= 2 * _NBUF

    x4 = x.astype(jnp.int32).reshape(NW, W, ST, 8).transpose(2, 0, 3, 1)

    mesh = plsc.VectorSubcoreMesh(core_axis_name="c", subcore_axis_name="s")

    @functools.partial(
        pl.kernel,
        mesh=mesh,
        compiler_params=pltpu.CompilerParams(
            use_tc_tiling_on_sc=False, needs_layout_passes=False
        ),
        out_type=jax.ShapeDtypeStruct((NBT, S // 2, 512, 2 * D), jnp.float32),
        scratch_types=[
            pltpu.VMEM((ST, 8, W), jnp.int32),
            pltpu.VMEM((_NBUF, W, D), jnp.float32),
            [pltpu.SemaphoreType.DMA] * _NBUF,
            [pltpu.SemaphoreType.DMA] * _NBUF,
        ],
    )
    def gather_sc(idx_hbm, tab_hbm, inter_hbm, idx_all, gbuf, gsems, osems):
        wid = lax.axis_index("s") * NC + lax.axis_index("c")
        bt = lax.shift_right_logical(wid, 2)
        bsub0 = lax.bitwise_and(wid, 3) * W

        pltpu.sync_copy(idx_hbm.at[:, wid], idx_all)

        def dst(g):
            return inter_hbm.at[
                bt, g >> 1, pl.ds(bsub0, W), pl.ds((g & 1) * D, D)
            ]

        def fire(g, b):
            pltpu.async_copy(
                tab_hbm.at[idx_all.at[g >> 3, g & 7]], gbuf.at[b], gsems[b]
            )

        def wait_g(b):
            pltpu.make_async_copy(tab_hbm.at[pl.ds(0, W)], gbuf.at[b], gsems[b]).wait()

        def fire_w(g, b):
            pltpu.async_copy(gbuf.at[b], dst(g), osems[b])

        def wait_w(b):
            pltpu.make_async_copy(gbuf.at[b], dst(0), osems[b]).wait()

        for b in range(_NBUF):
            fire(b, b)

        def body(i, carry):
            gg = i * _NBUF
            for b in range(_NBUF):
                g = gg + b
                wait_g(b)
                fire_w(g, b)
                wait_w(b)
                fire(g + _NBUF, b)
            return carry

        lax.fori_loop(0, (S - _NBUF) // _NBUF, body, 0)

        for b in range(_NBUF):
            g = S - _NBUF + b
            wait_g(b)
            fire_w(g, b)
            wait_w(b)

    def trans_tc(in_ref, out_ref):
        for q in range(_PB):
            blk = in_ref[0, q]
            out_ref[2 * q] = blk[:, :D].T
            out_ref[2 * q + 1] = blk[:, D:].T

    inter = gather_sc(x4, table)
    out_sdb = pl.pallas_call(
        trans_tc,
        grid=(NBT, S // (2 * _PB)),
        in_specs=[
            pl.BlockSpec((1, _PB, 512, 2 * D), lambda i, j: (i, j, 0, 0)),
        ],
        out_specs=pl.BlockSpec((2 * _PB, D, 512), lambda i, j: (j, 0, i)),
        out_shape=jax.ShapeDtypeStruct((S, D, B), jnp.float32),
    )(inter)
    return out_sdb.transpose(2, 0, 1)

# --- scband reference (transcript-rebuilt; emitter-appended) ---
"""Pipeline reference for scband-embedding-12163347382965 (READ-ONLY COPY).

The authoritative reference and input builder live on the scoring server;
editing this copy changes nothing except your own understanding.
"""

import jax, jax.numpy as jnp
import numpy as np

VOCAB = 100000
EMBED_DIM = 64
BATCH = 4096
SEQ = 200
PAD_IDX = 0

def setup_inputs(seed: int = 0) -> dict:
    key = jax.random.key(seed)
    k_idx, k_tab = jax.random.split(key)
    x = jax.random.randint(k_idx, (BATCH, SEQ), 0, VOCAB, dtype=jnp.int64 if jax.config.jax_enable_x64 else jnp.int32)
    table = jax.random.normal(k_tab, (VOCAB, EMBED_DIM), dtype=jnp.float32)
    # emulate padding_idx: zero out the pad row (nn.Embedding.from_pretrained with padding_idx)
    table = table.at[PAD_IDX].set(0.0)
    return {"x": x, "table": table}

def reference(x, table):
    # token_embedding = self.token_embedding(x) -> gather rows of the table
    token_embedding = jnp.take(table, x, axis=0)
    return token_embedding

if __name__ == "__main__":
    import jax
    _d = setup_inputs()
    print(jax.jit(kernel)(*tuple(_d.values())))

</pallas_src>

<mosaic_0001>
#map = affine_map<(d0, d1) -> (0, 0, 0, 0)>
#map1 = affine_map<(d0, d1) -> (0, 0)>
module attributes {stable_mosaic.version = 14 : i64} {
  func.func @gather_sc(%arg0: i32, %arg1: i32, %arg2: memref<25x32x8x128xi32, #tpu.memory_space<hbm>>, %arg3: memref<100000x64xf32, #tpu.memory_space<hbm>>, %arg4: memref<8x100x512x128xf32, #tpu.memory_space<hbm>>, %arg5: memref<25x8x128xi32, #tpu.memory_space<vmem>>, %arg6: memref<4x128x64xf32, #tpu.memory_space<vmem>>, %arg7: memref<!tpu.dma_semaphore, #tpu.memory_space<semaphore_mem>>, %arg8: memref<!tpu.dma_semaphore, #tpu.memory_space<semaphore_mem>>, %arg9: memref<!tpu.dma_semaphore, #tpu.memory_space<semaphore_mem>>, %arg10: memref<!tpu.dma_semaphore, #tpu.memory_space<semaphore_mem>>, %arg11: memref<!tpu.dma_semaphore, #tpu.memory_space<semaphore_mem>>, %arg12: memref<!tpu.dma_semaphore, #tpu.memory_space<semaphore_mem>>, %arg13: memref<!tpu.dma_semaphore, #tpu.memory_space<semaphore_mem>>, %arg14: memref<!tpu.dma_semaphore, #tpu.memory_space<semaphore_mem>>) attributes {dimension_semantics = [#tpu.dimension_semantics<core_parallel>, #tpu.dimension_semantics<subcore_parallel>], iteration_bounds = array<i64: 2, 16>, scalar_prefetch = 0 : i64, scratch_operands = 10 : i64, tpu.core_type = #tpu.core_type<sc_vector_subcore>, window_params = [{transform_indices = #map}, {transform_indices = #map1}, {transform_indices = #map}]} {
    %mul3A = arith.constant 2 : i32
    %mul3A_0 = arith.muli %arg1, %mul3A : i32
    %add3A = arith.addi %mul3A_0, %arg0 : i32
    %shift_right_logical3A = arith.constant 2 : i32
    %shift_right_logical3A_1 = arith.shrui %add3A, %shift_right_logical3A : i32
    %and3A = arith.constant 3 : i32
    %and3A_2 = arith.andi %add3A, %and3A : i32
    %mul3A_3 = arith.constant 128 : i32
    %mul3A_4 = arith.muli %and3A_2, %mul3A_3 : i32
    "tpu.region"() ({
      %run_scoped3A = tpu.sem_alloc : memref<!tpu.dma_semaphore, #tpu.memory_space<semaphore_mem>>
      %dma_start3A_248 = arith.constant 0 : i32
      %dma_start3A_249 = arith.constant 0 : i32
      %dma_start3A_250 = arith.constant 0 : i32
      %dma_start3A_251 = tpu.memref_slice %arg2[%dma_start3A_248, %add3A, %dma_start3A_249, %dma_start3A_250] : memref<25x32x8x128xi32, #tpu.memory_space<hbm>> -> memref<25x1x8x128xi32, #tpu.memory_space<hbm>>
      %dma_start3A_252 = tpu.memref_squeeze %dma_start3A_251 : memref<25x1x8x128xi32, #tpu.memory_space<hbm>> -> memref<25x8x128xi32, #tpu.memory_space<hbm>>
      %dma_start3A_253 = arith.constant 0 : i32
      %dma_start3A_254 = arith.constant 0 : i32
      %dma_start3A_255 = arith.constant 0 : i32
      %dma_start3A_256 = tpu.memref_slice %arg2[%dma_start3A_253, %add3A, %dma_start3A_254, %dma_start3A_255] : memref<25x32x8x128xi32, #tpu.memory_space<hbm>> -> memref<25x1x8x128xi32, #tpu.memory_space<hbm>>
      %dma_start3A_257 = tpu.memref_squeeze %dma_start3A_256 : memref<25x1x8x128xi32, #tpu.memory_space<hbm>> -> memref<25x8x128xi32, #tpu.memory_space<hbm>>
      tpu.enqueue_dma source(%dma_start3A_257 : memref<25x8x128xi32, #tpu.memory_space<hbm>>) target(%arg5 : memref<25x8x128xi32, #tpu.memory_space<vmem>>) target_semaphore(%run_scoped3A : memref<!tpu.dma_semaphore, #tpu.memory_space<semaphore_mem>>)
      %dma_wait3A_258 = arith.constant 0 : i32
      %dma_wait3A_259 = arith.constant 0 : i32
      %dma_wait3A_260 = arith.constant 0 : i32
      %dma_wait3A_261 = tpu.memref_slice %arg2[%dma_wait3A_258, %add3A, %dma_wait3A_259, %dma_wait3A_260] : memref<25x32x8x128xi32, #tpu.memory_space<hbm>> -> memref<25x1x8x128xi32, #tpu.memory_space<hbm>>
      %dma_wait3A_262 = tpu.memref_squeeze %dma_wait3A_261 : memref<25x1x8x128xi32, #tpu.memory_space<hbm>> -> memref<25x8x128xi32, #tpu.memory_space<hbm>>
      %dma_wait3A_263 = arith.constant 0 : i32
      %dma_wait3A_264 = arith.constant 0 : i32
      %dma_wait3A_265 = arith.constant 0 : i32
      %dma_wait3A_266 = tpu.memref_slice %arg2[%dma_wait3A_263, %add3A, %dma_wait3A_264, %dma_wait3A_265] : memref<25x32x8x128xi32, #tpu.memory_space<hbm>> -> memref<25x1x8x128xi32, #tpu.memory_space<hbm>>
      %dma_wait3A_267 = tpu.memref_squeeze %dma_wait3A_266 : memref<25x1x8x128xi32, #tpu.memory_space<hbm>> -> memref<25x8x128xi32, #tpu.memory_space<hbm>>
      tpu.wait_dma2 semaphore(%run_scoped3A : memref<!tpu.dma_semaphore, #tpu.memory_space<semaphore_mem>>) src(%dma_wait3A_267 : memref<25x8x128xi32, #tpu.memory_space<hbm>>) dst(%arg5 : memref<25x8x128xi32, #tpu.memory_space<vmem>>)
      tpu.yield
    }) : () -> ()
    %dma_start3A = arith.constant 0 : i32
    %dma_start3A_5 = arith.constant 0 : i32
    %dma_start3A_6 = arith.constant 0 : i32
    %dma_start3A_7 = arith.constant 0 : i32
    %dma_start3A_8 = arith.constant 0 : i32
    %dma_start3A_9 = tpu.memref_slice %arg6[%dma_start3A_6, %dma_start3A_7, %dma_start3A_8] : memref<4x128x64xf32, #tpu.memory_space<vmem>> -> memref<1x128x64xf32, #tpu.memory_space<vmem>>
    %dma_start3A_10 = tpu.memref_squeeze %dma_start3A_9 : memref<1x128x64xf32, #tpu.memory_space<vmem>> -> memref<128x64xf32, #tpu.memory_space<vmem>>
    %dma_start3A_11 = arith.constant 0 : i32
    %dma_start3A_12 = tpu.memref_slice %arg5[%dma_start3A, %dma_start3A_5, %dma_start3A_11] : memref<25x8x128xi32, #tpu.memory_space<vmem>> -> memref<1x1x128xi32, #tpu.memory_space<vmem>>
    %dma_start3A_13 = tpu.memref_squeeze %dma_start3A_12 : memref<1x1x128xi32, #tpu.memory_space<vmem>> -> memref<128xi32, #tpu.memory_space<vmem>>
    %dma_start3A_14 = arith.constant 0 : i32
    %dma_start3A_15 = arith.constant 0 : i32
    %dma_start3A_16 = tpu.memref_slice %arg3[%dma_start3A_14, %dma_start3A_15] : memref<100000x64xf32, #tpu.memory_space<hbm>> -> memref<100000x64xf32, #tpu.memory_space<hbm>>
    tpu.enqueue_indirect_dma source(%dma_start3A_16 : memref<100000x64xf32, #tpu.memory_space<hbm>>) target(%dma_start3A_10 : memref<128x64xf32, #tpu.memory_space<vmem>>) offsets(%dma_start3A_13 : memref<128xi32, #tpu.memory_space<vmem>>) semaphore(%arg7 : memref<!tpu.dma_semaphore, #tpu.memory_space<semaphore_mem>>)
    %dma_start3A_17 = arith.constant 0 : i32
    %dma_start3A_18 = arith.constant 1 : i32
    %dma_start3A_19 = arith.constant 1 : i32
    %dma_start3A_20 = arith.constant 0 : i32
    %dma_start3A_21 = arith.constant 0 : i32
    %dma_start3A_22 = tpu.memref_slice %arg6[%dma_start3A_19, %dma_start3A_20, %dma_start3A_21] : memref<4x128x64xf32, #tpu.memory_space<vmem>> -> memref<1x128x64xf32, #tpu.memory_space<vmem>>
    %dma_start3A_23 = tpu.memref_squeeze %dma_start3A_22 : memref<1x128x64xf32, #tpu.memory_space<vmem>> -> memref<128x64xf32, #tpu.memory_space<vmem>>
    %dma_start3A_24 = arith.constant 0 : i32
    %dma_start3A_25 = tpu.memref_slice %arg5[%dma_start3A_17, %dma_start3A_18, %dma_start3A_24] : memref<25x8x128xi32, #tpu.memory_space<vmem>> -> memref<1x1x128xi32, #tpu.memory_space<vmem>>
    %dma_start3A_26 = tpu.memref_squeeze %dma_start3A_25 : memref<1x1x128xi32, #tpu.memory_space<vmem>> -> memref<128xi32, #tpu.memory_space<vmem>>
    %dma_start3A_27 = arith.constant 0 : i32
    %dma_start3A_28 = arith.constant 0 : i32
    %dma_start3A_29 = tpu.memref_slice %arg3[%dma_start3A_27, %dma_start3A_28] : memref<100000x64xf32, #tpu.memory_space<hbm>> -> memref<100000x64xf32, #tpu.memory_space<hbm>>
    tpu.enqueue_indirect_dma source(%dma_start3A_29 : memref<100000x64xf32, #tpu.memory_space<hbm>>) target(%dma_start3A_23 : memref<128x64xf32, #tpu.memory_space<vmem>>) offsets(%dma_start3A_26 : memref<128xi32, #tpu.memory_space<vmem>>) semaphore(%arg8 : memref<!tpu.dma_semaphore, #tpu.memory_space<semaphore_mem>>)
    %dma_start3A_30 = arith.constant 0 : i32
    %dma_start3A_31 = arith.constant 2 : i32
    %dma_start3A_32 = arith.constant 2 : i32
    %dma_start3A_33 = arith.constant 0 : i32
    %dma_start3A_34 = arith.constant 0 : i32
    %dma_start3A_35 = tpu.memref_slice %arg6[%dma_start3A_32, %dma_start3A_33, %dma_start3A_34] : memref<4x128x64xf32, #tpu.memory_space<vmem>> -> memref<1x128x64xf32, #tpu.memory_space<vmem>>
    %dma_start3A_36 = tpu.memref_squeeze %dma_start3A_35 : memref<1x128x64xf32, #tpu.memory_space<vmem>> -> memref<128x64xf32, #tpu.memory_space<vmem>>
    %dma_start3A_37 = arith.constant 0 : i32
    %dma_start3A_38 = tpu.memref_slice %arg5[%dma_start3A_30, %dma_start3A_31, %dma_start3A_37] : memref<25x8x128xi32, #tpu.memory_space<vmem>> -> memref<1x1x128xi32, #tpu.memory_space<vmem>>
    %dma_start3A_39 = tpu.memref_squeeze %dma_start3A_38 : memref<1x1x128xi32, #tpu.memory_space<vmem>> -> memref<128xi32, #tpu.memory_space<vmem>>
    %dma_start3A_40 = arith.constant 0 : i32
    %dma_start3A_41 = arith.constant 0 : i32
    %dma_start3A_42 = tpu.memref_slice %arg3[%dma_start3A_40, %dma_start3A_41] : memref<100000x64xf32, #tpu.memory_space<hbm>> -> memref<100000x64xf32, #tpu.memory_space<hbm>>
    tpu.enqueue_indirect_dma source(%dma_start3A_42 : memref<100000x64xf32, #tpu.memory_space<hbm>>) target(%dma_start3A_36 : memref<128x64xf32, #tpu.memory_space<vmem>>) offsets(%dma_start3A_39 : memref<128xi32, #tpu.memory_space<vmem>>) semaphore(%arg9 : memref<!tpu.dma_semaphore, #tpu.memory_space<semaphore_mem>>)
    %dma_start3A_43 = arith.constant 0 : i32
    %dma_start3A_44 = arith.constant 3 : i32
    %dma_start3A_45 = arith.constant 3 : i32
    %dma_start3A_46 = arith.constant 0 : i32
    %dma_start3A_47 = arith.constant 0 : i32
    %dma_start3A_48 = tpu.memref_slice %arg6[%dma_start3A_45, %dma_start3A_46, %dma_start3A_47] : memref<4x128x64xf32, #tpu.memory_space<vmem>> -> memref<1x128x64xf32, #tpu.memory_space<vmem>>
    %dma_start3A_49 = tpu.memref_squeeze %dma_start3A_48 : memref<1x128x64xf32, #tpu.memory_space<vmem>> -> memref<128x64xf32, #tpu.memory_space<vmem>>
    %dma_start3A_50 = arith.constant 0 : i32
    %dma_start3A_51 = tpu.memref_slice %arg5[%dma_start3A_43, %dma_start3A_44, %dma_start3A_50] : memref<25x8x128xi32, #tpu.memory_space<vmem>> -> memref<1x1x128xi32, #tpu.memory_space<vmem>>
    %dma_start3A_52 = tpu.memref_squeeze %dma_start3A_51 : memref<1x1x128xi32, #tpu.memory_space<vmem>> -> memref<128xi32, #tpu.memory_space<vmem>>
    %dma_start3A_53 = arith.constant 0 : i32
    %dma_start3A_54 = arith.constant 0 : i32
    %dma_start3A_55 = tpu.memref_slice %arg3[%dma_start3A_53, %dma_start3A_54] : memref<100000x64xf32, #tpu.memory_space<hbm>> -> memref<100000x64xf32, #tpu.memory_space<hbm>>
    tpu.enqueue_indirect_dma source(%dma_start3A_55 : memref<100000x64xf32, #tpu.memory_space<hbm>>) target(%dma_start3A_49 : memref<128x64xf32, #tpu.memory_space<vmem>>) offsets(%dma_start3A_52 : memref<128xi32, #tpu.memory_space<vmem>>) semaphore(%arg10 : memref<!tpu.dma_semaphore, #tpu.memory_space<semaphore_mem>>)
    %scan3A = arith.constant 0 : i32
    %scan3A_56 = arith.constant 0 : i32
    %scan3A_57 = arith.constant 49 : i32
    %scan3A_58 = arith.addi %scan3A_56, %scan3A_57 : i32
    %scan3A_59 = arith.constant 1 : i32
    scf.for %scan3A_248 = %scan3A_56 to %scan3A_58 step %scan3A_59  : i32 {
      %mul3A_249 = arith.constant 4 : i32
      %mul3A_250 = arith.muli %scan3A_248, %mul3A_249 : i32
      %add3A_251 = arith.constant 0 : i32
      %add3A_252 = arith.addi %mul3A_250, %add3A_251 : i32
      %dma_wait3A_253 = arith.constant 0 : i32
      %dma_wait3A_254 = arith.constant 0 : i32
      %dma_wait3A_255 = arith.constant 0 : i32
      %dma_wait3A_256 = tpu.memref_slice %arg6[%dma_wait3A_253, %dma_wait3A_254, %dma_wait3A_255] : memref<4x128x64xf32, #tpu.memory_space<vmem>> -> memref<1x128x64xf32, #tpu.memory_space<vmem>>
      %dma_wait3A_257 = tpu.memref_squeeze %dma_wait3A_256 : memref<1x128x64xf32, #tpu.memory_space<vmem>> -> memref<128x64xf32, #tpu.memory_space<vmem>>
      %dma_wait3A_258 = arith.constant 0 : i32
      %dma_wait3A_259 = arith.constant 0 : i32
      %dma_wait3A_260 = tpu.memref_slice %arg3[%dma_wait3A_258, %dma_wait3A_259] : memref<100000x64xf32, #tpu.memory_space<hbm>> -> memref<128x64xf32, #tpu.memory_space<hbm>>
      %dma_wait3A_261 = arith.constant 0 : i32
      %dma_wait3A_262 = arith.constant 0 : i32
      %dma_wait3A_263 = tpu.memref_slice %arg6[%dma_wait3A_253, %dma_wait3A_261, %dma_wait3A_262] : memref<4x128x64xf32, #tpu.memory_space<vmem>> -> memref<1x128x64xf32, #tpu.memory_space<vmem>>
      %dma_wait3A_264 = tpu.memref_squeeze %dma_wait3A_263 : memref<1x128x64xf32, #tpu.memory_space<vmem>> -> memref<128x64xf32, #tpu.memory_space<vmem>>
      %dma_wait3A_265 = arith.constant 0 : i32
      %dma_wait3A_266 = arith.constant 0 : i32
      %dma_wait3A_267 = tpu.memref_slice %arg3[%dma_wait3A_265, %dma_wait3A_266] : memref<100000x64xf32, #tpu.memory_space<hbm>> -> memref<128x64xf32, #tpu.memory_space<hbm>>
      tpu.wait_dma2 semaphore(%arg7 : memref<!tpu.dma_semaphore, #tpu.memory_space<semaphore_mem>>) src(%dma_wait3A_267 : memref<128x64xf32, #tpu.memory_space<hbm>>) dst(%dma_wait3A_264 : memref<128x64xf32, #tpu.memory_space<vmem>>)
      %shift_right_arithmetic3A = arith.constant 1 : i32
      %shift_right_arithmetic3A_268 = arith.shrsi %add3A_252, %shift_right_arithmetic3A : i32
      %and3A_269 = arith.constant 1 : i32
      %and3A_270 = arith.andi %add3A_252, %and3A_269 : i32
      %mul3A_271 = arith.constant 64 : i32
      %mul3A_272 = arith.muli %and3A_270, %mul3A_271 : i32
      %dma_start3A_273 = arith.constant 0 : i32
      %dma_start3A_274 = arith.constant 0 : i32
      %dma_start3A_275 = arith.constant 0 : i32
      %dma_start3A_276 = tpu.memref_slice %arg6[%dma_start3A_273, %dma_start3A_274, %dma_start3A_275] : memref<4x128x64xf32, #tpu.memory_space<vmem>> -> memref<1x128x64xf32, #tpu.memory_space<vmem>>
      %dma_start3A_277 = tpu.memref_squeeze %dma_start3A_276 : memref<1x128x64xf32, #tpu.memory_space<vmem>> -> memref<128x64xf32, #tpu.memory_space<vmem>>
      %dma_start3A_278 = tpu.memref_slice %arg4[%shift_right_logical3A_1, %shift_right_arithmetic3A_268, %mul3A_4, %mul3A_272] : memref<8x100x512x128xf32, #tpu.memory_space<hbm>> -> memref<1x1x128x64xf32, #tpu.memory_space<hbm>>
      %dma_start3A_279 = tpu.memref_squeeze %dma_start3A_278 : memref<1x1x128x64xf32, #tpu.memory_space<hbm>> -> memref<128x64xf32, #tpu.memory_space<hbm>>
      %dma_start3A_280 = tpu.memref_slice %arg4[%shift_right_logical3A_1, %shift_right_arithmetic3A_268, %mul3A_4, %mul3A_272] : memref<8x100x512x128xf32, #tpu.memory_space<hbm>> -> memref<1x1x128x64xf32, #tpu.memory_space<hbm>>
      %dma_start3A_281 = tpu.memref_squeeze %dma_start3A_280 : memref<1x1x128x64xf32, #tpu.memory_space<hbm>> -> memref<128x64xf32, #tpu.memory_space<hbm>>
      %dma_start3A_282 = arith.constant 0 : i32
      %dma_start3A_283 = arith.constant 0 : i32
      %dma_start3A_284 = tpu.memref_slice %arg6[%dma_start3A_273, %dma_start3A_282, %dma_start3A_283] : memref<4x128x64xf32, #tpu.memory_space<vmem>> -> memref<1x128x64xf32, #tpu.memory_space<vmem>>
      %dma_start3A_285 = tpu.memref_squeeze %dma_start3A_284 : memref<1x128x64xf32, #tpu.memory_space<vmem>> -> memref<128x64xf32, #tpu.memory_space<vmem>>
      tpu.enqueue_dma source(%dma_start3A_285 : memref<128x64xf32, #tpu.memory_space<vmem>>) target(%dma_start3A_281 : memref<128x64xf32, #tpu.memory_space<hbm>>) target_semaphore(%arg11 : memref<!tpu.dma_semaphore, #tpu.memory_space<semaphore_mem>>)
      %dma_wait3A_286 = arith.constant 0 : i32
      %dma_wait3A_287 = arith.constant 0 : i32
      %dma_wait3A_288 = arith.constant 0 : i32
      %dma_wait3A_289 = arith.constant 0 : i32
      %dma_wait3A_290 = tpu.memref_slice %arg6[%dma_wait3A_286, %dma_wait3A_288, %dma_wait3A_289] : memref<4x128x64xf32, #tpu.memory_space<vmem>> -> memref<1x128x64xf32, #tpu.memory_space<vmem>>
      %dma_wait3A_291 = tpu.memref_squeeze %dma_wait3A_290 : memref<1x128x64xf32, #tpu.memory_space<vmem>> -> memref<128x64xf32, #tpu.memory_space<vmem>>
      %dma_wait3A_292 = arith.constant 0 : i32
      %dma_wait3A_293 = tpu.memref_slice %arg4[%shift_right_logical3A_1, %dma_wait3A_287, %mul3A_4, %dma_wait3A_292] : memref<8x100x512x128xf32, #tpu.memory_space<hbm>> -> memref<1x1x128x64xf32, #tpu.memory_space<hbm>>
      %dma_wait3A_294 = tpu.memref_squeeze %dma_wait3A_293 : memref<1x1x128x64xf32, #tpu.memory_space<hbm>> -> memref<128x64xf32, #tpu.memory_space<hbm>>
      %dma_wait3A_295 = arith.constant 0 : i32
      %dma_wait3A_296 = tpu.memref_slice %arg4[%shift_right_logical3A_1, %dma_wait3A_287, %mul3A_4, %dma_wait3A_295] : memref<8x100x512x128xf32, #tpu.memory_space<hbm>> -> memref<1x1x128x64xf32, #tpu.memory_space<hbm>>
      %dma_wait3A_297 = tpu.memref_squeeze %dma_wait3A_296 : memref<1x1x128x64xf32, #tpu.memory_space<hbm>> -> memref<128x64xf32, #tpu.memory_space<hbm>>
      %dma_wait3A_298 = arith.constant 0 : i32
      %dma_wait3A_299 = arith.constant 0 : i32
      %dma_wait3A_300 = tpu.memref_slice %arg6[%dma_wait3A_286, %dma_wait3A_298, %dma_wait3A_299] : memref<4x128x64xf32, #tpu.memory_space<vmem>> -> memref<1x128x64xf32, #tpu.memory_space<vmem>>
      %dma_wait3A_301 = tpu.memref_squeeze %dma_wait3A_300 : memref<1x128x64xf32, #tpu.memory_space<vmem>> -> memref<128x64xf32, #tpu.memory_space<vmem>>
      tpu.wait_dma2 semaphore(%arg11 : memref<!tpu.dma_semaphore, #tpu.memory_space<semaphore_mem>>) src(%dma_wait3A_301 : memref<128x64xf32, #tpu.memory_space<vmem>>) dst(%dma_wait3A_297 : memref<128x64xf32, #tpu.memory_space<hbm>>)
      %add3A_302 = arith.constant 4 : i32
      %add3A_303 = arith.addi %add3A_252, %add3A_302 : i32
      %shift_right_arithmetic3A_304 = arith.constant 3 : i32
      %shift_right_arithmetic3A_305 = arith.shrsi %add3A_303, %shift_right_arithmetic3A_304 : i32
      %and3A_306 = arith.constant 7 : i32
      %and3A_307 = arith.andi %add3A_303, %and3A_306 : i32
      %dma_start3A_308 = arith.constant 0 : i32
      %dma_start3A_309 = arith.constant 0 : i32
      %dma_start3A_310 = arith.constant 0 : i32
      %dma_start3A_311 = tpu.memref_slice %arg6[%dma_start3A_308, %dma_start3A_309, %dma_start3A_310] : memref<4x128x64xf32, #tpu.memory_space<vmem>> -> memref<1x128x64xf32, #tpu.memory_space<vmem>>
      %dma_start3A_312 = tpu.memref_squeeze %dma_start3A_311 : memref<1x128x64xf32, #tpu.memory_space<vmem>> -> memref<128x64xf32, #tpu.memory_space<vmem>>
      %dma_start3A_313 = arith.constant 0 : i32
      %dma_start3A_314 = tpu.memref_slice %arg5[%shift_right_arithmetic3A_305, %and3A_307, %dma_start3A_313] : memref<25x8x128xi32, #tpu.memory_space<vmem>> -> memref<1x1x128xi32, #tpu.memory_space<vmem>>
      %dma_start3A_315 = tpu.memref_squeeze %dma_start3A_314 : memref<1x1x128xi32, #tpu.memory_space<vmem>> -> memref<128xi32, #tpu.memory_space<vmem>>
      %dma_start3A_316 = arith.constant 0 : i32
      %dma_start3A_317 = arith.constant 0 : i32
      %dma_start3A_318 = tpu.memref_slice %arg3[%dma_start3A_316, %dma_start3A_317] : memref<100000x64xf32, #tpu.memory_space<hbm>> -> memref<100000x64xf32, #tpu.memory_space<hbm>>
      tpu.enqueue_indirect_dma source(%dma_start3A_318 : memref<100000x64xf32, #tpu.memory_space<hbm>>) target(%dma_start3A_312 : memref<128x64xf32, #tpu.memory_space<vmem>>) offsets(%dma_start3A_315 : memref<128xi32, #tpu.memory_space<vmem>>) semaphore(%arg7 : memref<!tpu.dma_semaphore, #tpu.memory_space<semaphore_mem>>)
      %add3A_319 = arith.constant 1 : i32
      %add3A_320 = arith.addi %mul3A_250, %add3A_319 : i32
      %dma_wait3A_321 = arith.constant 1 : i32
      %dma_wait3A_322 = arith.constant 0 : i32
      %dma_wait3A_323 = arith.constant 0 : i32
      %dma_wait3A_324 = tpu.memref_slice %arg6[%dma_wait3A_321, %dma_wait3A_322, %dma_wait3A_323] : memref<4x128x64xf32, #tpu.memory_space<vmem>> -> memref<1x128x64xf32, #tpu.memory_space<vmem>>
      %dma_wait3A_325 = tpu.memref_squeeze %dma_wait3A_324 : memref<1x128x64xf32, #tpu.memory_space<vmem>> -> memref<128x64xf32, #tpu.memory_space<vmem>>
      %dma_wait3A_326 = arith.constant 0 : i32
      %dma_wait3A_327 = arith.constant 0 : i32
      %dma_wait3A_328 = tpu.memref_slice %arg3[%dma_wait3A_326, %dma_wait3A_327] : memref<100000x64xf32, #tpu.memory_space<hbm>> -> memref<128x64xf32, #tpu.memory_space<hbm>>
      %dma_wait3A_329 = arith.constant 0 : i32
      %dma_wait3A_330 = arith.constant 0 : i32
      %dma_wait3A_331 = tpu.memref_slice %arg6[%dma_wait3A_321, %dma_wait3A_329, %dma_wait3A_330] : memref<4x128x64xf32, #tpu.memory_space<vmem>> -> memref<1x128x64xf32, #tpu.memory_space<vmem>>
      %dma_wait3A_332 = tpu.memref_squeeze %dma_wait3A_331 : memref<1x128x64xf32, #tpu.memory_space<vmem>> -> memref<128x64xf32, #tpu.memory_space<vmem>>
      %dma_wait3A_333 = arith.constant 0 : i32
      %dma_wait3A_334 = arith.constant 0 : i32
      %dma_wait3A_335 = tpu.memref_slice %arg3[%dma_wait3A_333, %dma_wait3A_334] : memref<100000x64xf32, #tpu.memory_space<hbm>> -> memref<128x64xf32, #tpu.memory_space<hbm>>
      tpu.wait_dma2 semaphore(%arg8 : memref<!tpu.dma_semaphore, #tpu.memory_space<semaphore_mem>>) src(%dma_wait3A_335 : memref<128x64xf32, #tpu.memory_space<hbm>>) dst(%dma_wait3A_332 : memref<128x64xf32, #tpu.memory_space<vmem>>)
      %shift_right_arithmetic3A_336 = arith.constant 1 : i32
      %shift_right_arithmetic3A_337 = arith.shrsi %add3A_320, %shift_right_arithmetic3A_336 : i32
      %and3A_338 = arith.constant 1 : i32
      %and3A_339 = arith.andi %add3A_320, %and3A_338 : i32
      %mul3A_340 = arith.constant 64 : i32
      %mul3A_341 = arith.muli %and3A_339, %mul3A_340 : i32
      %dma_start3A_342 = arith.constant 1 : i32
      %dma_start3A_343 = arith.constant 0 : i32
      %dma_start3A_344 = arith.constant 0 : i32
      %dma_start3A_345 = tpu.memref_slice %arg6[%dma_start3A_342, %dma_start3A_343, %dma_start3A_344] : memref<4x128x64xf32, #tpu.memory_space<vmem>> -> memref<1x128x64xf32, #tpu.memory_space<vmem>>
      %dma_start3A_346 = tpu.memref_squeeze %dma_start3A_345 : memref<1x128x64xf32, #tpu.memory_space<vmem>> -> memref<128x64xf32, #tpu.memory_space<vmem>>
      %dma_start3A_347 = tpu.memref_slice %arg4[%shift_right_logical3A_1, %shift_right_arithmetic3A_337, %mul3A_4, %mul3A_341] : memref<8x100x512x128xf32, #tpu.memory_space<hbm>> -> memref<1x1x128x64xf32, #tpu.memory_space<hbm>>
      %dma_start3A_348 = tpu.memref_squeeze %dma_start3A_347 : memref<1x1x128x64xf32, #tpu.memory_space<hbm>> -> memref<128x64xf32, #tpu.memory_space<hbm>>
      %dma_start3A_349 = tpu.memref_slice %arg4[%shift_right_logical3A_1, %shift_right_arithmetic3A_337, %mul3A_4, %mul3A_341] : memref<8x100x512x128xf32, #tpu.memory_space<hbm>> -> memref<1x1x128x64xf32, #tpu.memory_space<hbm>>
      %dma_start3A_350 = tpu.memref_squeeze %dma_start3A_349 : memref<1x1x128x64xf32, #tpu.memory_space<hbm>> -> memref<128x64xf32, #tpu.memory_space<hbm>>
      %dma_start3A_351 = arith.constant 0 : i32
      %dma_start3A_352 = arith.constant 0 : i32
      %dma_start3A_353 = tpu.memref_slice %arg6[%dma_start3A_342, %dma_start3A_351, %dma_start3A_352] : memref<4x128x64xf32, #tpu.memory_space<vmem>> -> memref<1x128x64xf32, #tpu.memory_space<vmem>>
      %dma_start3A_354 = tpu.memref_squeeze %dma_start3A_353 : memref<1x128x64xf32, #tpu.memory_space<vmem>> -> memref<128x64xf32, #tpu.memory_space<vmem>>
      tpu.enqueue_dma source(%dma_start3A_354 : memref<128x64xf32, #tpu.memory_space<vmem>>) target(%dma_start3A_350 : memref<128x64xf32, #tpu.memory_space<hbm>>) target_semaphore(%arg12 : memref<!tpu.dma_semaphore, #tpu.memory_space<semaphore_mem>>)
      %dma_wait3A_355 = arith.constant 1 : i32
      %dma_wait3A_356 = arith.constant 0 : i32
      %dma_wait3A_357 = arith.constant 0 : i32
      %dma_wait3A_358 = arith.constant 0 : i32
      %dma_wait3A_359 = tpu.memref_slice %arg6[%dma_wait3A_355, %dma_wait3A_357, %dma_wait3A_358] : memref<4x128x64xf32, #tpu.memory_space<vmem>> -> memref<1x128x64xf32, #tpu.memory_space<vmem>>
      %dma_wait3A_360 = tpu.memref_squeeze %dma_wait3A_359 : memref<1x128x64xf32, #tpu.memory_space<vmem>> -> memref<128x64xf32, #tpu.memory_space<vmem>>
      %dma_wait3A_361 = arith.constant 0 : i32
      %dma_wait3A_362 = tpu.memref_slice %arg4[%shift_right_logical3A_1, %dma_wait3A_356, %mul3A_4, %dma_wait3A_361] : memref<8x100x512x128xf32, #tpu.memory_space<hbm>> -> memref<1x1x128x64xf32, #tpu.memory_space<hbm>>
      %dma_wait3A_363 = tpu.memref_squeeze %dma_wait3A_362 : memref<1x1x128x64xf32, #tpu.memory_space<hbm>> -> memref<128x64xf32, #tpu.memory_space<hbm>>
      %dma_wait3A_364 = arith.constant 0 : i32
      %dma_wait3A_365 = tpu.memref_slice %arg4[%shift_right_logical3A_1, %dma_wait3A_356, %mul3A_4, %dma_wait3A_364] : memref<8x100x512x128xf32, #tpu.memory_space<hbm>> -> memref<1x1x128x64xf32, #tpu.memory_space<hbm>>
      %dma_wait3A_366 = tpu.memref_squeeze %dma_wait3A_365 : memref<1x1x128x64xf32, #tpu.memory_space<hbm>> -> memref<128x64xf32, #tpu.memory_space<hbm>>
      %dma_wait3A_367 = arith.constant 0 : i32
      %dma_wait3A_368 = arith.constant 0 : i32
      %dma_wait3A_369 = tpu.memref_slice %arg6[%dma_wait3A_355, %dma_wait3A_367, %dma_wait3A_368] : memref<4x128x64xf32, #tpu.memory_space<vmem>> -> memref<1x128x64xf32, #tpu.memory_space<vmem>>
      %dma_wait3A_370 = tpu.memref_squeeze %dma_wait3A_369 : memref<1x128x64xf32, #tpu.memory_space<vmem>> -> memref<128x64xf32, #tpu.memory_space<vmem>>
      tpu.wait_dma2 semaphore(%arg12 : memref<!tpu.dma_semaphore, #tpu.memory_space<semaphore_mem>>) src(%dma_wait3A_370 : memref<128x64xf32, #tpu.memory_space<vmem>>) dst(%dma_wait3A_366 : memref<128x64xf32, #tpu.memory_space<hbm>>)
      %add3A_371 = arith.constant 4 : i32
      %add3A_372 = arith.addi %add3A_320, %add3A_371 : i32
      %shift_right_arithmetic3A_373 = arith.constant 3 : i32
      %shift_right_arithmetic3A_374 = arith.shrsi %add3A_372, %shift_right_arithmetic3A_373 : i32
      %and3A_375 = arith.constant 7 : i32
      %and3A_376 = arith.andi %add3A_372, %and3A_375 : i32
      %dma_start3A_377 = arith.constant 1 : i32
      %dma_start3A_378 = arith.constant 0 : i32
      %dma_start3A_379 = arith.constant 0 : i32
      %dma_start3A_380 = tpu.memref_slice %arg6[%dma_start3A_377, %dma_start3A_378, %dma_start3A_379] : memref<4x128x64xf32, #tpu.memory_space<vmem>> -> memref<1x128x64xf32, #tpu.memory_space<vmem>>
      %dma_start3A_381 = tpu.memref_squeeze %dma_start3A_380 : memref<1x128x64xf32, #tpu.memory_space<vmem>> -> memref<128x64xf32, #tpu.memory_space<vmem>>
      %dma_start3A_382 = arith.constant 0 : i32
      %dma_start3A_383 = tpu.memref_slice %arg5[%shift_right_arithmetic3A_374, %and3A_376, %dma_start3A_382] : memref<25x8x128xi32, #tpu.memory_space<vmem>> -> memref<1x1x128xi32, #tpu.memory_space<vmem>>
      %dma_start3A_384 = tpu.memref_squeeze %dma_start3A_383 : memref<1x1x128xi32, #tpu.memory_space<vmem>> -> memref<128xi32, #tpu.memory_space<vmem>>
      %dma_start3A_385 = arith.constant 0 : i32
      %dma_start3A_386 = arith.constant 0 : i32
      %dma_start3A_387 = tpu.memref_slice %arg3[%dma_start3A_385, %dma_start3A_386] : memref<100000x64xf32, #tpu.memory_space<hbm>> -> memref<100000x64xf32, #tpu.memory_space<hbm>>
      tpu.enqueue_indirect_dma source(%dma_start3A_387 : memref<100000x64xf32, #tpu.memory_space<hbm>>) target(%dma_start3A_381 : memref<128x64xf32, #tpu.memory_space<vmem>>) offsets(%dma_start3A_384 : memref<128xi32, #tpu.memory_space<vmem>>) semaphore(%arg8 : memref<!tpu.dma_semaphore, #tpu.memory_space<semaphore_mem>>)
      %add3A_388 = arith.constant 2 : i32
      %add3A_389 = arith.addi %mul3A_250, %add3A_388 : i32
      %dma_wait3A_390 = arith.constant 2 : i32
      %dma_wait3A_391 = arith.constant 0 : i32
      %dma_wait3A_392 = arith.constant 0 : i32
      %dma_wait3A_393 = tpu.memref_slice %arg6[%dma_wait3A_390, %dma_wait3A_391, %dma_wait3A_392] : memref<4x128x64xf32, #tpu.memory_space<vmem>> -> memref<1x128x64xf32, #tpu.memory_space<vmem>>
      %dma_wait3A_394 = tpu.memref_squeeze %dma_wait3A_393 : memref<1x128x64xf32, #tpu.memory_space<vmem>> -> memref<128x64xf32, #tpu.memory_space<vmem>>
      %dma_wait3A_395 = arith.constant 0 : i32
      %dma_wait3A_396 = arith.constant 0 : i32
      %dma_wait3A_397 = tpu.memref_slice %arg3[%dma_wait3A_395, %dma_wait3A_396] : memref<100000x64xf32, #tpu.memory_space<hbm>> -> memref<128x64xf32, #tpu.memory_space<hbm>>
      %dma_wait3A_398 = arith.constant 0 : i32
      %dma_wait3A_399 = arith.constant 0 : i32
      %dma_wait3A_400 = tpu.memref_slice %arg6[%dma_wait3A_390, %dma_wait3A_398, %dma_wait3A_399] : memref<4x128x64xf32, #tpu.memory_space<vmem>> -> memref<1x128x64xf32, #tpu.memory_space<vmem>>
      %dma_wait3A_401 = tpu.memref_squeeze %dma_wait3A_400 : memref<1x128x64xf32, #tpu.memory_space<vmem>> -> memref<128x64xf32, #tpu.memory_space<vmem>>
      %dma_wait3A_402 = arith.constant 0 : i32
      %dma_wait3A_403 = arith.constant 0 : i32
      %dma_wait3A_404 = tpu.memref_slice %arg3[%dma_wait3A_402, %dma_wait3A_403] : memref<100000x64xf32, #tpu.memory_space<hbm>> -> memref<128x64xf32, #tpu.memory_space<hbm>>
      tpu.wait_dma2 semaphore(%arg9 : memref<!tpu.dma_semaphore, #tpu.memory_space<semaphore_mem>>) src(%dma_wait3A_404 : memref<128x64xf32, #tpu.memory_space<hbm>>) dst(%dma_wait3A_401 : memref<128x64xf32, #tpu.memory_space<vmem>>)
      %shift_right_arithmetic3A_405 = arith.constant 1 : i32
      %shift_right_arithmetic3A_406 = arith.shrsi %add3A_389, %shift_right_arithmetic3A_405 : i32
      %and3A_407 = arith.constant 1 : i32
      %and3A_408 = arith.andi %add3A_389, %and3A_407 : i32
      %mul3A_409 = arith.constant 64 : i32
      %mul3A_410 = arith.muli %and3A_408, %mul3A_409 : i32
      %dma_start3A_411 = arith.constant 2 : i32
      %dma_start3A_412 = arith.constant 0 : i32
      %dma_start3A_413 = arith.constant 0 : i32
      %dma_start3A_414 = tpu.memref_slice %arg6[%dma_start3A_411, %dma_start3A_412, %dma_start3A_413] : memref<4x128x64xf32, #tpu.memory_space<vmem>> -> memref<1x128x64xf32, #tpu.memory_space<vmem>>
      %dma_start3A_415 = tpu.memref_squeeze %dma_start3A_414 : memref<1x128x64xf32, #tpu.memory_space<vmem>> -> memref<128x64xf32, #tpu.memory_space<vmem>>
      %dma_start3A_416 = tpu.memref_slice %arg4[%shift_right_logical3A_1, %shift_right_arithmetic3A_406, %mul3A_4, %mul3A_410] : memref<8x100x512x128xf32, #tpu.memory_space<hbm>> -> memref<1x1x128x64xf32, #tpu.memory_space<hbm>>
      %dma_start3A_417 = tpu.memref_squeeze %dma_start3A_416 : memref<1x1x128x64xf32, #tpu.memory_space<hbm>> -> memref<128x64xf32, #tpu.memory_space<hbm>>
      %dma_start3A_418 = tpu.memref_slice %arg4[%shift_right_logical3A_1, %shift_right_arithmetic3A_406, %mul3A_4, %mul3A_410] : memref<8x100x512x128xf32, #tpu.memory_space<hbm>> -> memref<1x1x128x64xf32, #tpu.memory_space<hbm>>
      %dma_start3A_419 = tpu.memref_squeeze %dma_start3A_418 : memref<1x1x128x64xf32, #tpu.memory_space<hbm>> -> memref<128x64xf32, #tpu.memory_space<hbm>>
      %dma_start3A_420 = arith.constant 0 : i32
      %dma_start3A_421 = arith.constant 0 : i32
      %dma_start3A_422 = tpu.memref_slice %arg6[%dma_start3A_411, %dma_start3A_420, %dma_start3A_421] : memref<4x128x64xf32, #tpu.memory_space<vmem>> -> memref<1x128x64xf32, #tpu.memory_space<vmem>>
      %dma_start3A_423 = tpu.memref_squeeze %dma_start3A_422 : memref<1x128x64xf32, #tpu.memory_space<vmem>> -> memref<128x64xf32, #tpu.memory_space<vmem>>
      tpu.enqueue_dma source(%dma_start3A_423 : memref<128x64xf32, #tpu.memory_space<vmem>>) target(%dma_start3A_419 : memref<128x64xf32, #tpu.memory_space<hbm>>) target_semaphore(%arg13 : memref<!tpu.dma_semaphore, #tpu.memory_space<semaphore_mem>>)
      %dma_wait3A_424 = arith.constant 2 : i32
      %dma_wait3A_425 = arith.constant 0 : i32
      %dma_wait3A_426 = arith.constant 0 : i32
      %dma_wait3A_427 = arith.constant 0 : i32
      %dma_wait3A_428 = tpu.memref_slice %arg6[%dma_wait3A_424, %dma_wait3A_426, %dma_wait3A_427] : memref<4x128x64xf32, #tpu.memory_space<vmem>> -> memref<1x128x64xf32, #tpu.memory_space<vmem>>
      %dma_wait3A_429 = tpu.memref_squeeze %dma_wait3A_428 : memref<1x128x64xf32, #tpu.memory_space<vmem>> -> memref<128x64xf32, #tpu.memory_space<vmem>>
      %dma_wait3A_430 = arith.constant 0 : i32
      %dma_wait3A_431 = tpu.memref_slice %arg4[%shift_right_logical3A_1, %dma_wait3A_425, %mul3A_4, %dma_wait3A_430] : memref<8x100x512x128xf32, #tpu.memory_space<hbm>> -> memref<1x1x128x64xf32, #tpu.memory_space<hbm>>
      %dma_wait3A_432 = tpu.memref_squeeze %dma_wait3A_431 : memref<1x1x128x64xf32, #tpu.memory_space<hbm>> -> memref<128x64xf32, #tpu.memory_space<hbm>>
      %dma_wait3A_433 = arith.constant 0 : i32
      %dma_wait3A_434 = tpu.memref_slice %arg4[%shift_right_logical3A_1, %dma_wait3A_425, %mul3A_4, %dma_wait3A_433] : memref<8x100x512x128xf32, #tpu.memory_space<hbm>> -> memref<1x1x128x64xf32, #tpu.memory_space<hbm>>
      %dma_wait3A_435 = tpu.memref_squeeze %dma_wait3A_434 : memref<1x1x128x64xf32, #tpu.memory_space<hbm>> -> memref<128x64xf32, #tpu.memory_space<hbm>>
      %dma_wait3A_436 = arith.constant 0 : i32
      %dma_wait3A_437 = arith.constant 0 : i32
      %dma_wait3A_438 = tpu.memref_slice %arg6[%dma_wait3A_424, %dma_wait3A_436, %dma_wait3A_437] : memref<4x128x64xf32, #tpu.memory_space<vmem>> -> memref<1x128x64xf32, #tpu.memory_space<vmem>>
      %dma_wait3A_439 = tpu.memref_squeeze %dma_wait3A_438 : memref<1x128x64xf32, #tpu.memory_space<vmem>> -> memref<128x64xf32, #tpu.memory_space<vmem>>
      tpu.wait_dma2 semaphore(%arg13 : memref<!tpu.dma_semaphore, #tpu.memory_space<semaphore_mem>>) src(%dma_wait3A_439 : memref<128x64xf32, #tpu.memory_space<vmem>>) dst(%dma_wait3A_435 : memref<128x64xf32, #tpu.memory_space<hbm>>)
      %add3A_440 = arith.constant 4 : i32
      %add3A_441 = arith.addi %add3A_389, %add3A_440 : i32
      %shift_right_arithmetic3A_442 = arith.constant 3 : i32
      %shift_right_arithmetic3A_443 = arith.shrsi %add3A_441, %shift_right_arithmetic3A_442 : i32
      %and3A_444 = arith.constant 7 : i32
      %and3A_445 = arith.andi %add3A_441, %and3A_444 : i32
      %dma_start3A_446 = arith.constant 2 : i32
      %dma_start3A_447 = arith.constant 0 : i32
      %dma_start3A_448 = arith.constant 0 : i32
      %dma_start3A_449 = tpu.memref_slice %arg6[%dma_start3A_446, %dma_start3A_447, %dma_start3A_448] : memref<4x128x64xf32, #tpu.memory_space<vmem>> -> memref<1x128x64xf32, #tpu.memory_space<vmem>>
      %dma_start3A_450 = tpu.memref_squeeze %dma_start3A_449 : memref<1x128x64xf32, #tpu.memory_space<vmem>> -> memref<128x64xf32, #tpu.memory_space<vmem>>
      %dma_start3A_451 = arith.constant 0 : i32
      %dma_start3A_452 = tpu.memref_slice %arg5[%shift_right_arithmetic3A_443, %and3A_445, %dma_start3A_451] : memref<25x8x128xi32, #tpu.memory_space<vmem>> -> memref<1x1x128xi32, #tpu.memory_space<vmem>>
      %dma_start3A_453 = tpu.memref_squeeze %dma_start3A_452 : memref<1x1x128xi32, #tpu.memory_space<vmem>> -> memref<128xi32, #tpu.memory_space<vmem>>
      %dma_start3A_454 = arith.constant 0 : i32
      %dma_start3A_455 = arith.constant 0 : i32
      %dma_start3A_456 = tpu.memref_slice %arg3[%dma_start3A_454, %dma_start3A_455] : memref<100000x64xf32, #tpu.memory_space<hbm>> -> memref<100000x64xf32, #tpu.memory_space<hbm>>
      tpu.enqueue_indirect_dma source(%dma_start3A_456 : memref<100000x64xf32, #tpu.memory_space<hbm>>) target(%dma_start3A_450 : memref<128x64xf32, #tpu.memory_space<vmem>>) offsets(%dma_start3A_453 : memref<128xi32, #tpu.memory_space<vmem>>) semaphore(%arg9 : memref<!tpu.dma_semaphore, #tpu.memory_space<semaphore_mem>>)
      %add3A_457 = arith.constant 3 : i32
      %add3A_458 = arith.addi %mul3A_250, %add3A_457 : i32
      %dma_wait3A_459 = arith.constant 3 : i32
      %dma_wait3A_460 = arith.constant 0 : i32
      %dma_wait3A_461 = arith.constant 0 : i32
      %dma_wait3A_462 = tpu.memref_slice %arg6[%dma_wait3A_459, %dma_wait3A_460, %dma_wait3A_461] : memref<4x128x64xf32, #tpu.memory_space<vmem>> -> memref<1x128x64xf32, #tpu.memory_space<vmem>>
      %dma_wait3A_463 = tpu.memref_squeeze %dma_wait3A_462 : memref<1x128x64xf32, #tpu.memory_space<vmem>> -> memref<128x64xf32, #tpu.memory_space<vmem>>
      %dma_wait3A_464 = arith.constant 0 : i32
      %dma_wait3A_465 = arith.constant 0 : i32
      %dma_wait3A_466 = tpu.memref_slice %arg3[%dma_wait3A_464, %dma_wait3A_465] : memref<100000x64xf32, #tpu.memory_space<hbm>> -> memref<128x64xf32, #tpu.memory_space<hbm>>
      %dma_wait3A_467 = arith.constant 0 : i32
      %dma_wait3A_468 = arith.constant 0 : i32
      %dma_wait3A_469 = tpu.memref_slice %arg6[%dma_wait3A_459, %dma_wait3A_467, %dma_wait3A_468] : memref<4x128x64xf32, #tpu.memory_space<vmem>> -> memref<1x128x64xf32, #tpu.memory_space<vmem>>
      %dma_wait3A_470 = tpu.memref_squeeze %dma_wait3A_469 : memref<1x128x64xf32, #tpu.memory_space<vmem>> -> memref<128x64xf32, #tpu.memory_space<vmem>>
      %dma_wait3A_471 = arith.constant 0 : i32
      %dma_wait3A_472 = arith.constant 0 : i32
      %dma_wait3A_473 = tpu.memref_slice %arg3[%dma_wait3A_471, %dma_wait3A_472] : memref<100000x64xf32, #tpu.memory_space<hbm>> -> memref<128x64xf32, #tpu.memory_space<hbm>>
      tpu.wait_dma2 semaphore(%arg10 : memref<!tpu.dma_semaphore, #tpu.memory_space<semaphore_mem>>) src(%dma_wait3A_473 : memref<128x64xf32, #tpu.memory_space<hbm>>) dst(%dma_wait3A_470 : memref<128x64xf32, #tpu.memory_space<vmem>>)
      %shift_right_arithmetic3A_474 = arith.constant 1 : i32
      %shift_right_arithmetic3A_475 = arith.shrsi %add3A_458, %shift_right_arithmetic3A_474 : i32
      %and3A_476 = arith.constant 1 : i32
      %and3A_477 = arith.andi %add3A_458, %and3A_476 : i32
      %mul3A_478 = arith.constant 64 : i32
      %mul3A_479 = arith.muli %and3A_477, %mul3A_478 : i32
      %dma_start3A_480 = arith.constant 3 : i32
      %dma_start3A_481 = arith.constant 0 : i32
      %dma_start3A_482 = arith.constant 0 : i32
      %dma_start3A_483 = tpu.memref_slice %arg6[%dma_start3A_480, %dma_start3A_481, %dma_start3A_482] : memref<4x128x64xf32, #tpu.memory_space<vmem>> -> memref<1x128x64xf32, #tpu.memory_space<vmem>>
      %dma_start3A_484 = tpu.memref_squeeze %dma_start3A_483 : memref<1x128x64xf32, #tpu.memory_space<vmem>> -> memref<128x64xf32, #tpu.memory_space<vmem>>
      %dma_start3A_485 = tpu.memref_slice %arg4[%shift_right_logical3A_1, %shift_right_arithmetic3A_475, %mul3A_4, %mul3A_479] : memref<8x100x512x128xf32, #tpu.memory_space<hbm>> -> memref<1x1x128x64xf32, #tpu.memory_space<hbm>>
      %dma_start3A_486 = tpu.memref_squeeze %dma_start3A_485 : memref<1x1x128x64xf32, #tpu.memory_space<hbm>> -> memref<128x64xf32, #tpu.memory_space<hbm>>
      %dma_start3A_487 = tpu.memref_slice %arg4[%shift_right_logical3A_1, %shift_right_arithmetic3A_475, %mul3A_4, %mul3A_479] : memref<8x100x512x128xf32, #tpu.memory_space<hbm>> -> memref<1x1x128x64xf32, #tpu.memory_space<hbm>>
      %dma_start3A_488 = tpu.memref_squeeze %dma_start3A_487 : memref<1x1x128x64xf32, #tpu.memory_space<hbm>> -> memref<128x64xf32, #tpu.memory_space<hbm>>
      %dma_start3A_489 = arith.constant 0 : i32
      %dma_start3A_490 = arith.constant 0 : i32
      %dma_start3A_491 = tpu.memref_slice %arg6[%dma_start3A_480, %dma_start3A_489, %dma_start3A_490] : memref<4x128x64xf32, #tpu.memory_space<vmem>> -> memref<1x128x64xf32, #tpu.memory_space<vmem>>
      %dma_start3A_492 = tpu.memref_squeeze %dma_start3A_491 : memref<1x128x64xf32, #tpu.memory_space<vmem>> -> memref<128x64xf32, #tpu.memory_space<vmem>>
      tpu.enqueue_dma source(%dma_start3A_492 : memref<128x64xf32, #tpu.memory_space<vmem>>) target(%dma_start3A_488 : memref<128x64xf32, #tpu.memory_space<hbm>>) target_semaphore(%arg14 : memref<!tpu.dma_semaphore, #tpu.memory_space<semaphore_mem>>)
      %dma_wait3A_493 = arith.constant 3 : i32
      %dma_wait3A_494 = arith.constant 0 : i32
      %dma_wait3A_495 = arith.constant 0 : i32
      %dma_wait3A_496 = arith.constant 0 : i32
      %dma_wait3A_497 = tpu.memref_slice %arg6[%dma_wait3A_493, %dma_wait3A_495, %dma_wait3A_496] : memref<4x128x64xf32, #tpu.memory_space<vmem>> -> memref<1x128x64xf32, #tpu.memory_space<vmem>>
      %dma_wait3A_498 = tpu.memref_squeeze %dma_wait3A_497 : memref<1x128x64xf32, #tpu.memory_space<vmem>> -> memref<128x64xf32, #tpu.memory_space<vmem>>
      %dma_wait3A_499 = arith.constant 0 : i32
      %dma_wait3A_500 = tpu.memref_slice %arg4[%shift_right_logical3A_1, %dma_wait3A_494, %mul3A_4, %dma_wait3A_499] : memref<8x100x512x128xf32, #tpu.memory_space<hbm>> -> memref<1x1x128x64xf32, #tpu.memory_space<hbm>>
      %dma_wait3A_501 = tpu.memref_squeeze %dma_wait3A_500 : memref<1x1x128x64xf32, #tpu.memory_space<hbm>> -> memref<128x64xf32, #tpu.memory_space<hbm>>
      %dma_wait3A_502 = arith.constant 0 : i32
      %dma_wait3A_503 = tpu.memref_slice %arg4[%shift_right_logical3A_1, %dma_wait3A_494, %mul3A_4, %dma_wait3A_502] : memref<8x100x512x128xf32, #tpu.memory_space<hbm>> -> memref<1x1x128x64xf32, #tpu.memory_space<hbm>>
      %dma_wait3A_504 = tpu.memref_squeeze %dma_wait3A_503 : memref<1x1x128x64xf32, #tpu.memory_space<hbm>> -> memref<128x64xf32, #tpu.memory_space<hbm>>
      %dma_wait3A_505 = arith.constant 0 : i32
      %dma_wait3A_506 = arith.constant 0 : i32
      %dma_wait3A_507 = tpu.memref_slice %arg6[%dma_wait3A_493, %dma_wait3A_505, %dma_wait3A_506] : memref<4x128x64xf32, #tpu.memory_space<vmem>> -> memref<1x128x64xf32, #tpu.memory_space<vmem>>
      %dma_wait3A_508 = tpu.memref_squeeze %dma_wait3A_507 : memref<1x128x64xf32, #tpu.memory_space<vmem>> -> memref<128x64xf32, #tpu.memory_space<vmem>>
      tpu.wait_dma2 semaphore(%arg14 : memref<!tpu.dma_semaphore, #tpu.memory_space<semaphore_mem>>) src(%dma_wait3A_508 : memref<128x64xf32, #tpu.memory_space<vmem>>) dst(%dma_wait3A_504 : memref<128x64xf32, #tpu.memory_space<hbm>>)
      %add3A_509 = arith.constant 4 : i32
      %add3A_510 = arith.addi %add3A_458, %add3A_509 : i32
      %shift_right_arithmetic3A_511 = arith.constant 3 : i32
      %shift_right_arithmetic3A_512 = arith.shrsi %add3A_510, %shift_right_arithmetic3A_511 : i32
      %and3A_513 = arith.constant 7 : i32
      %and3A_514 = arith.andi %add3A_510, %and3A_513 : i32
      %dma_start3A_515 = arith.constant 3 : i32
      %dma_start3A_516 = arith.constant 0 : i32
      %dma_start3A_517 = arith.constant 0 : i32
      %dma_start3A_518 = tpu.memref_slice %arg6[%dma_start3A_515, %dma_start3A_516, %dma_start3A_517] : memref<4x128x64xf32, #tpu.memory_space<vmem>> -> memref<1x128x64xf32, #tpu.memory_space<vmem>>
      %dma_start3A_519 = tpu.memref_squeeze %dma_start3A_518 : memref<1x128x64xf32, #tpu.memory_space<vmem>> -> memref<128x64xf32, #tpu.memory_space<vmem>>
      %dma_start3A_520 = arith.constant 0 : i32
      %dma_start3A_521 = tpu.memref_slice %arg5[%shift_right_arithmetic3A_512, %and3A_514, %dma_start3A_520] : memref<25x8x128xi32, #tpu.memory_space<vmem>> -> memref<1x1x128xi32, #tpu.memory_space<vmem>>
      %dma_start3A_522 = tpu.memref_squeeze %dma_start3A_521 : memref<1x1x128xi32, #tpu.memory_space<vmem>> -> memref<128xi32, #tpu.memory_space<vmem>>
      %dma_start3A_523 = arith.constant 0 : i32
      %dma_start3A_524 = arith.constant 0 : i32
      %dma_start3A_525 = tpu.memref_slice %arg3[%dma_start3A_523, %dma_start3A_524] : memref<100000x64xf32, #tpu.memory_space<hbm>> -> memref<100000x64xf32, #tpu.memory_space<hbm>>
      tpu.enqueue_indirect_dma source(%dma_start3A_525 : memref<100000x64xf32, #tpu.memory_space<hbm>>) target(%dma_start3A_519 : memref<128x64xf32, #tpu.memory_space<vmem>>) offsets(%dma_start3A_522 : memref<128xi32, #tpu.memory_space<vmem>>) semaphore(%arg10 : memref<!tpu.dma_semaphore, #tpu.memory_space<semaphore_mem>>)
    }
    %scan3A_60 = arith.constant 49 : i32
    %dma_wait3A = arith.constant 0 : i32
    %dma_wait3A_61 = arith.constant 0 : i32
    %dma_wait3A_62 = arith.constant 0 : i32
    %dma_wait3A_63 = tpu.memref_slice %arg6[%dma_wait3A, %dma_wait3A_61, %dma_wait3A_62] : memref<4x128x64xf32, #tpu.memory_space<vmem>> -> memref<1x128x64xf32, #tpu.memory_space<vmem>>
    %dma_wait3A_64 = tpu.memref_squeeze %dma_wait3A_63 : memref<1x128x64xf32, #tpu.memory_space<vmem>> -> memref<128x64xf32, #tpu.memory_space<vmem>>
    %dma_wait3A_65 = arith.constant 0 : i32
    %dma_wait3A_66 = arith.constant 0 : i32
    %dma_wait3A_67 = tpu.memref_slice %arg3[%dma_wait3A_65, %dma_wait3A_66] : memref<100000x64xf32, #tpu.memory_space<hbm>> -> memref<128x64xf32, #tpu.memory_space<hbm>>
    %dma_wait3A_68 = arith.constant 0 : i32
    %dma_wait3A_69 = arith.constant 0 : i32
    %dma_wait3A_70 = tpu.memref_slice %arg6[%dma_wait3A, %dma_wait3A_68, %dma_wait3A_69] : memref<4x128x64xf32, #tpu.memory_space<vmem>> -> memref<1x128x64xf32, #tpu.memory_space<vmem>>
    %dma_wait3A_71 = tpu.memref_squeeze %dma_wait3A_70 : memref<1x128x64xf32, #tpu.memory_space<vmem>> -> memref<128x64xf32, #tpu.memory_space<vmem>>
    %dma_wait3A_72 = arith.constant 0 : i32
    %dma_wait3A_73 = arith.constant 0 : i32
    %dma_wait3A_74 = tpu.memref_slice %arg3[%dma_wait3A_72, %dma_wait3A_73] : memref<100000x64xf32, #tpu.memory_space<hbm>> -> memref<128x64xf32, #tpu.memory_space<hbm>>
    tpu.wait_dma2 semaphore(%arg7 : memref<!tpu.dma_semaphore, #tpu.memory_space<semaphore_mem>>) src(%dma_wait3A_74 : memref<128x64xf32, #tpu.memory_space<hbm>>) dst(%dma_wait3A_71 : memref<128x64xf32, #tpu.memory_space<vmem>>)
    %dma_start3A_75 = arith.constant 0 : i32
    %dma_start3A_76 = arith.constant 98 : i32
    %dma_start3A_77 = arith.constant 0 : i32
    %dma_start3A_78 = arith.constant 0 : i32
    %dma_start3A_79 = tpu.memref_slice %arg6[%dma_start3A_75, %dma_start3A_77, %dma_start3A_78] : memref<4x128x64xf32, #tpu.memory_space<vmem>> -> memref<1x128x64xf32, #tpu.memory_space<vmem>>
    %dma_start3A_80 = tpu.memref_squeeze %dma_start3A_79 : memref<1x128x64xf32, #tpu.memory_space<vmem>> -> memref<128x64xf32, #tpu.memory_space<vmem>>
    %dma_start3A_81 = arith.constant 0 : i32
    %dma_start3A_82 = tpu.memref_slice %arg4[%shift_right_logical3A_1, %dma_start3A_76, %mul3A_4, %dma_start3A_81] : memref<8x100x512x128xf32, #tpu.memory_space<hbm>> -> memref<1x1x128x64xf32, #tpu.memory_space<hbm>>
    %dma_start3A_83 = tpu.memref_squeeze %dma_start3A_82 : memref<1x1x128x64xf32, #tpu.memory_space<hbm>> -> memref<128x64xf32, #tpu.memory_space<hbm>>
    %dma_start3A_84 = arith.constant 0 : i32
    %dma_start3A_85 = tpu.memref_slice %arg4[%shift_right_logical3A_1, %dma_start3A_76, %mul3A_4, %dma_start3A_84] : memref<8x100x512x128xf32, #tpu.memory_space<hbm>> -> memref<1x1x128x64xf32, #tpu.memory_space<hbm>>
    %dma_start3A_86 = tpu.memref_squeeze %dma_start3A_85 : memref<1x1x128x64xf32, #tpu.memory_space<hbm>> -> memref<128x64xf32, #tpu.memory_space<hbm>>
    %dma_start3A_87 = arith.constant 0 : i32
    %dma_start3A_88 = arith.constant 0 : i32
    %dma_start3A_89 = tpu.memref_slice %arg6[%dma_start3A_75, %dma_start3A_87, %dma_start3A_88] : memref<4x128x64xf32, #tpu.memory_space<vmem>> -> memref<1x128x64xf32, #tpu.memory_space<vmem>>
    %dma_start3A_90 = tpu.memref_squeeze %dma_start3A_89 : memref<1x128x64xf32, #tpu.memory_space<vmem>> -> memref<128x64xf32, #tpu.memory_space<vmem>>
    tpu.enqueue_dma source(%dma_start3A_90 : memref<128x64xf32, #tpu.memory_space<vmem>>) target(%dma_start3A_86 : memref<128x64xf32, #tpu.memory_space<hbm>>) target_semaphore(%arg11 : memref<!tpu.dma_semaphore, #tpu.memory_space<semaphore_mem>>)
    %dma_wait3A_91 = arith.constant 0 : i32
    %dma_wait3A_92 = arith.constant 0 : i32
    %dma_wait3A_93 = arith.constant 0 : i32
    %dma_wait3A_94 = arith.constant 0 : i32
    %dma_wait3A_95 = tpu.memref_slice %arg6[%dma_wait3A_91, %dma_wait3A_93, %dma_wait3A_94] : memref<4x128x64xf32, #tpu.memory_space<vmem>> -> memref<1x128x64xf32, #tpu.memory_space<vmem>>
    %dma_wait3A_96 = tpu.memref_squeeze %dma_wait3A_95 : memref<1x128x64xf32, #tpu.memory_space<vmem>> -> memref<128x64xf32, #tpu.memory_space<vmem>>
    %dma_wait3A_97 = arith.constant 0 : i32
    %dma_wait3A_98 = tpu.memref_slice %arg4[%shift_right_logical3A_1, %dma_wait3A_92, %mul3A_4, %dma_wait3A_97] : memref<8x100x512x128xf32, #tpu.memory_space<hbm>> -> memref<1x1x128x64xf32, #tpu.memory_space<hbm>>
    %dma_wait3A_99 = tpu.memref_squeeze %dma_wait3A_98 : memref<1x1x128x64xf32, #tpu.memory_space<hbm>> -> memref<128x64xf32, #tpu.memory_space<hbm>>
    %dma_wait3A_100 = arith.constant 0 : i32
    %dma_wait3A_101 = tpu.memref_slice %arg4[%shift_right_logical3A_1, %dma_wait3A_92, %mul3A_4, %dma_wait3A_100] : memref<8x100x512x128xf32, #tpu.memory_space<hbm>> -> memref<1x1x128x64xf32, #tpu.memory_space<hbm>>
    %dma_wait3A_102 = tpu.memref_squeeze %dma_wait3A_101 : memref<1x1x128x64xf32, #tpu.memory_space<hbm>> -> memref<128x64xf32, #tpu.memory_space<hbm>>
    %dma_wait3A_103 = arith.constant 0 : i32
    %dma_wait3A_104 = arith.constant 0 : i32
    %dma_wait3A_105 = tpu.memref_slice %arg6[%dma_wait3A_91, %dma_wait3A_103, %dma_wait3A_104] : memref<4x128x64xf32, #tpu.memory_space<vmem>> -> memref<1x128x64xf32, #tpu.memory_space<vmem>>
    %dma_wait3A_106 = tpu.memref_squeeze %dma_wait3A_105 : memref<1x128x64xf32, #tpu.memory_space<vmem>> -> memref<128x64xf32, #tpu.memory_space<vmem>>
    tpu.wait_dma2 semaphore(%arg11 : memref<!tpu.dma_semaphore, #tpu.memory_space<semaphore_mem>>) src(%dma_wait3A_106 : memref<128x64xf32, #tpu.memory_space<vmem>>) dst(%dma_wait3A_102 : memref<128x64xf32, #tpu.memory_space<hbm>>)
    %dma_wait3A_107 = arith.constant 1 : i32
    %dma_wait3A_108 = arith.constant 0 : i32
    %dma_wait3A_109 = arith.constant 0 : i32
    %dma_wait3A_110 = tpu.memref_slice %arg6[%dma_wait3A_107, %dma_wait3A_108, %dma_wait3A_109] : memref<4x128x64xf32, #tpu.memory_space<vmem>> -> memref<1x128x64xf32, #tpu.memory_space<vmem>>
    %dma_wait3A_111 = tpu.memref_squeeze %dma_wait3A_110 : memref<1x128x64xf32, #tpu.memory_space<vmem>> -> memref<128x64xf32, #tpu.memory_space<vmem>>
    %dma_wait3A_112 = arith.constant 0 : i32
    %dma_wait3A_113 = arith.constant 0 : i32
    %dma_wait3A_114 = tpu.memref_slice %arg3[%dma_wait3A_112, %dma_wait3A_113] : memref<100000x64xf32, #tpu.memory_space<hbm>> -> memref<128x64xf32, #tpu.memory_space<hbm>>
    %dma_wait3A_115 = arith.constant 0 : i32
    %dma_wait3A_116 = arith.constant 0 : i32
    %dma_wait3A_117 = tpu.memref_slice %arg6[%dma_wait3A_107, %dma_wait3A_115, %dma_wait3A_116] : memref<4x128x64xf32, #tpu.memory_space<vmem>> -> memref<1x128x64xf32, #tpu.memory_space<vmem>>
    %dma_wait3A_118 = tpu.memref_squeeze %dma_wait3A_117 : memref<1x128x64xf32, #tpu.memory_space<vmem>> -> memref<128x64xf32, #tpu.memory_space<vmem>>
    %dma_wait3A_119 = arith.constant 0 : i32
    %dma_wait3A_120 = arith.constant 0 : i32
    %dma_wait3A_121 = tpu.memref_slice %arg3[%dma_wait3A_119, %dma_wait3A_120] : memref<100000x64xf32, #tpu.memory_space<hbm>> -> memref<128x64xf32, #tpu.memory_space<hbm>>
    tpu.wait_dma2 semaphore(%arg8 : memref<!tpu.dma_semaphore, #tpu.memory_space<semaphore_mem>>) src(%dma_wait3A_121 : memref<128x64xf32, #tpu.memory_space<hbm>>) dst(%dma_wait3A_118 : memref<128x64xf32, #tpu.memory_space<vmem>>)
    %dma_start3A_122 = arith.constant 1 : i32
    %dma_start3A_123 = arith.constant 98 : i32
    %dma_start3A_124 = arith.constant 0 : i32
    %dma_start3A_125 = arith.constant 0 : i32
    %dma_start3A_126 = tpu.memref_slice %arg6[%dma_start3A_122, %dma_start3A_124, %dma_start3A_125] : memref<4x128x64xf32, #tpu.memory_space<vmem>> -> memref<1x128x64xf32, #tpu.memory_space<vmem>>
    %dma_start3A_127 = tpu.memref_squeeze %dma_start3A_126 : memref<1x128x64xf32, #tpu.memory_space<vmem>> -> memref<128x64xf32, #tpu.memory_space<vmem>>
    %dma_start3A_128 = arith.constant 64 : i32
    %dma_start3A_129 = tpu.memref_slice %arg4[%shift_right_logical3A_1, %dma_start3A_123, %mul3A_4, %dma_start3A_128] : memref<8x100x512x128xf32, #tpu.memory_space<hbm>> -> memref<1x1x128x64xf32, #tpu.memory_space<hbm>>
    %dma_start3A_130 = tpu.memref_squeeze %dma_start3A_129 : memref<1x1x128x64xf32, #tpu.memory_space<hbm>> -> memref<128x64xf32, #tpu.memory_space<hbm>>
    %dma_start3A_131 = arith.constant 64 : i32
    %dma_start3A_132 = tpu.memref_slice %arg4[%shift_right_logical3A_1, %dma_start3A_123, %mul3A_4, %dma_start3A_131] : memref<8x100x512x128xf32, #tpu.memory_space<hbm>> -> memref<1x1x128x64xf32, #tpu.memory_space<hbm>>
    %dma_start3A_133 = tpu.memref_squeeze %dma_start3A_132 : memref<1x1x128x64xf32, #tpu.memory_space<hbm>> -> memref<128x64xf32, #tpu.memory_space<hbm>>
    %dma_start3A_134 = arith.constant 0 : i32
    %dma_start3A_135 = arith.constant 0 : i32
    %dma_start3A_136 = tpu.memref_slice %arg6[%dma_start3A_122, %dma_start3A_134, %dma_start3A_135] : memref<4x128x64xf32, #tpu.memory_space<vmem>> -> memref<1x128x64xf32, #tpu.memory_space<vmem>>
    %dma_start3A_137 = tpu.memref_squeeze %dma_start3A_136 : memref<1x128x64xf32, #tpu.memory_space<vmem>> -> memref<128x64xf32, #tpu.memory_space<vmem>>
    tpu.enqueue_dma source(%dma_start3A_137 : memref<128x64xf32, #tpu.memory_space<vmem>>) target(%dma_start3A_133 : memref<128x64xf32, #tpu.memory_space<hbm>>) target_semaphore(%arg12 : memref<!tpu.dma_semaphore, #tpu.memory_space<semaphore_mem>>)
    %dma_wait3A_138 = arith.constant 1 : i32
    %dma_wait3A_139 = arith.constant 0 : i32
    %dma_wait3A_140 = arith.constant 0 : i32
    %dma_wait3A_141 = arith.constant 0 : i32
    %dma_wait3A_142 = tpu.memref_slice %arg6[%dma_wait3A_138, %dma_wait3A_140, %dma_wait3A_141] : memref<4x128x64xf32, #tpu.memory_space<vmem>> -> memref<1x128x64xf32, #tpu.memory_space<vmem>>
    %dma_wait3A_143 = tpu.memref_squeeze %dma_wait3A_142 : memref<1x128x64xf32, #tpu.memory_space<vmem>> -> memref<128x64xf32, #tpu.memory_space<vmem>>
    %dma_wait3A_144 = arith.constant 0 : i32
    %dma_wait3A_145 = tpu.memref_slice %arg4[%shift_right_logical3A_1, %dma_wait3A_139, %mul3A_4, %dma_wait3A_144] : memref<8x100x512x128xf32, #tpu.memory_space<hbm>> -> memref<1x1x128x64xf32, #tpu.memory_space<hbm>>
    %dma_wait3A_146 = tpu.memref_squeeze %dma_wait3A_145 : memref<1x1x128x64xf32, #tpu.memory_space<hbm>> -> memref<128x64xf32, #tpu.memory_space<hbm>>
    %dma_wait3A_147 = arith.constant 0 : i32
    %dma_wait3A_148 = tpu.memref_slice %arg4[%shift_right_logical3A_1, %dma_wait3A_139, %mul3A_4, %dma_wait3A_147] : memref<8x100x512x128xf32, #tpu.memory_space<hbm>> -> memref<1x1x128x64xf32, #tpu.memory_space<hbm>>
    %dma_wait3A_149 = tpu.memref_squeeze %dma_wait3A_148 : memref<1x1x128x64xf32, #tpu.memory_space<hbm>> -> memref<128x64xf32, #tpu.memory_space<hbm>>
    %dma_wait3A_150 = arith.constant 0 : i32
    %dma_wait3A_151 = arith.constant 0 : i32
    %dma_wait3A_152 = tpu.memref_slice %arg6[%dma_wait3A_138, %dma_wait3A_150, %dma_wait3A_151] : memref<4x128x64xf32, #tpu.memory_space<vmem>> -> memref<1x128x64xf32, #tpu.memory_space<vmem>>
    %dma_wait3A_153 = tpu.memref_squeeze %dma_wait3A_152 : memref<1x128x64xf32, #tpu.memory_space<vmem>> -> memref<128x64xf32, #tpu.memory_space<vmem>>
    tpu.wait_dma2 semaphore(%arg12 : memref<!tpu.dma_semaphore, #tpu.memory_space<semaphore_mem>>) src(%dma_wait3A_153 : memref<128x64xf32, #tpu.memory_space<vmem>>) dst(%dma_wait3A_149 : memref<128x64xf32, #tpu.memory_space<hbm>>)
    %dma_wait3A_154 = arith.constant 2 : i32
    %dma_wait3A_155 = arith.constant 0 : i32
    %dma_wait3A_156 = arith.constant 0 : i32
    %dma_wait3A_157 = tpu.memref_slice %arg6[%dma_wait3A_154, %dma_wait3A_155, %dma_wait3A_156] : memref<4x128x64xf32, #tpu.memory_space<vmem>> -> memref<1x128x64xf32, #tpu.memory_space<vmem>>
    %dma_wait3A_158 = tpu.memref_squeeze %dma_wait3A_157 : memref<1x128x64xf32, #tpu.memory_space<vmem>> -> memref<128x64xf32, #tpu.memory_space<vmem>>
    %dma_wait3A_159 = arith.constant 0 : i32
    %dma_wait3A_160 = arith.constant 0 : i32
    %dma_wait3A_161 = tpu.memref_slice %arg3[%dma_wait3A_159, %dma_wait3A_160] : memref<100000x64xf32, #tpu.memory_space<hbm>> -> memref<128x64xf32, #tpu.memory_space<hbm>>
    %dma_wait3A_162 = arith.constant 0 : i32
    %dma_wait3A_163 = arith.constant 0 : i32
    %dma_wait3A_164 = tpu.memref_slice %arg6[%dma_wait3A_154, %dma_wait3A_162, %dma_wait3A_163] : memref<4x128x64xf32, #tpu.memory_space<vmem>> -> memref<1x128x64xf32, #tpu.memory_space<vmem>>
    %dma_wait3A_165 = tpu.memref_squeeze %dma_wait3A_164 : memref<1x128x64xf32, #tpu.memory_space<vmem>> -> memref<128x64xf32, #tpu.memory_space<vmem>>
    %dma_wait3A_166 = arith.constant 0 : i32
    %dma_wait3A_167 = arith.constant 0 : i32
    %dma_wait3A_168 = tpu.memref_slice %arg3[%dma_wait3A_166, %dma_wait3A_167] : memref<100000x64xf32, #tpu.memory_space<hbm>> -> memref<128x64xf32, #tpu.memory_space<hbm>>
    tpu.wait_dma2 semaphore(%arg9 : memref<!tpu.dma_semaphore, #tpu.memory_space<semaphore_mem>>) src(%dma_wait3A_168 : memref<128x64xf32, #tpu.memory_space<hbm>>) dst(%dma_wait3A_165 : memref<128x64xf32, #tpu.memory_space<vmem>>)
    %dma_start3A_169 = arith.constant 2 : i32
    %dma_start3A_170 = arith.constant 99 : i32
    %dma_start3A_171 = arith.constant 0 : i32
    %dma_start3A_172 = arith.constant 0 : i32
    %dma_start3A_173 = tpu.memref_slice %arg6[%dma_start3A_169, %dma_start3A_171, %dma_start3A_172] : memref<4x128x64xf32, #tpu.memory_space<vmem>> -> memref<1x128x64xf32, #tpu.memory_space<vmem>>
    %dma_start3A_174 = tpu.memref_squeeze %dma_start3A_173 : memref<1x128x64xf32, #tpu.memory_space<vmem>> -> memref<128x64xf32, #tpu.memory_space<vmem>>
    %dma_start3A_175 = arith.constant 0 : i32
    %dma_start3A_176 = tpu.memref_slice %arg4[%shift_right_logical3A_1, %dma_start3A_170, %mul3A_4, %dma_start3A_175] : memref<8x100x512x128xf32, #tpu.memory_space<hbm>> -> memref<1x1x128x64xf32, #tpu.memory_space<hbm>>
    %dma_start3A_177 = tpu.memref_squeeze %dma_start3A_176 : memref<1x1x128x64xf32, #tpu.memory_space<hbm>> -> memref<128x64xf32, #tpu.memory_space<hbm>>
    %dma_start3A_178 = arith.constant 0 : i32
    %dma_start3A_179 = tpu.memref_slice %arg4[%shift_right_logical3A_1, %dma_start3A_170, %mul3A_4, %dma_start3A_178] : memref<8x100x512x128xf32, #tpu.memory_space<hbm>> -> memref<1x1x128x64xf32, #tpu.memory_space<hbm>>
    %dma_start3A_180 = tpu.memref_squeeze %dma_start3A_179 : memref<1x1x128x64xf32, #tpu.memory_space<hbm>> -> memref<128x64xf32, #tpu.memory_space<hbm>>
    %dma_start3A_181 = arith.constant 0 : i32
    %dma_start3A_182 = arith.constant 0 : i32
    %dma_start3A_183 = tpu.memref_slice %arg6[%dma_start3A_169, %dma_start3A_181, %dma_start3A_182] : memref<4x128x64xf32, #tpu.memory_space<vmem>> -> memref<1x128x64xf32, #tpu.memory_space<vmem>>
    %dma_start3A_184 = tpu.memref_squeeze %dma_start3A_183 : memref<1x128x64xf32, #tpu.memory_space<vmem>> -> memref<128x64xf32, #tpu.memory_space<vmem>>
    tpu.enqueue_dma source(%dma_start3A_184 : memref<128x64xf32, #tpu.memory_space<vmem>>) target(%dma_start3A_180 : memref<128x64xf32, #tpu.memory_space<hbm>>) target_semaphore(%arg13 : memref<!tpu.dma_semaphore, #tpu.memory_space<semaphore_mem>>)
    %dma_wait3A_185 = arith.constant 2 : i32
    %dma_wait3A_186 = arith.constant 0 : i32
    %dma_wait3A_187 = arith.constant 0 : i32
    %dma_wait3A_188 = arith.constant 0 : i32
    %dma_wait3A_189 = tpu.memref_slice %arg6[%dma_wait3A_185, %dma_wait3A_187, %dma_wait3A_188] : memref<4x128x64xf32, #tpu.memory_space<vmem>> -> memref<1x128x64xf32, #tpu.memory_space<vmem>>
    %dma_wait3A_190 = tpu.memref_squeeze %dma_wait3A_189 : memref<1x128x64xf32, #tpu.memory_space<vmem>> -> memref<128x64xf32, #tpu.memory_space<vmem>>
    %dma_wait3A_191 = arith.constant 0 : i32
    %dma_wait3A_192 = tpu.memref_slice %arg4[%shift_right_logical3A_1, %dma_wait3A_186, %mul3A_4, %dma_wait3A_191] : memref<8x100x512x128xf32, #tpu.memory_space<hbm>> -> memref<1x1x128x64xf32, #tpu.memory_space<hbm>>
    %dma_wait3A_193 = tpu.memref_squeeze %dma_wait3A_192 : memref<1x1x128x64xf32, #tpu.memory_space<hbm>> -> memref<128x64xf32, #tpu.memory_space<hbm>>
    %dma_wait3A_194 = arith.constant 0 : i32
    %dma_wait3A_195 = tpu.memref_slice %arg4[%shift_right_logical3A_1, %dma_wait3A_186, %mul3A_4, %dma_wait3A_194] : memref<8x100x512x128xf32, #tpu.memory_space<hbm>> -> memref<1x1x128x64xf32, #tpu.memory_space<hbm>>
    %dma_wait3A_196 = tpu.memref_squeeze %dma_wait3A_195 : memref<1x1x128x64xf32, #tpu.memory_space<hbm>> -> memref<128x64xf32, #tpu.memory_space<hbm>>
    %dma_wait3A_197 = arith.constant 0 : i32
    %dma_wait3A_198 = arith.constant 0 : i32
    %dma_wait3A_199 = tpu.memref_slice %arg6[%dma_wait3A_185, %dma_wait3A_197, %dma_wait3A_198] : memref<4x128x64xf32, #tpu.memory_space<vmem>> -> memref<1x128x64xf32, #tpu.memory_space<vmem>>
    %dma_wait3A_200 = tpu.memref_squeeze %dma_wait3A_199 : memref<1x128x64xf32, #tpu.memory_space<vmem>> -> memref<128x64xf32, #tpu.memory_space<vmem>>
    tpu.wait_dma2 semaphore(%arg13 : memref<!tpu.dma_semaphore, #tpu.memory_space<semaphore_mem>>) src(%dma_wait3A_200 : memref<128x64xf32, #tpu.memory_space<vmem>>) dst(%dma_wait3A_196 : memref<128x64xf32, #tpu.memory_space<hbm>>)
    %dma_wait3A_201 = arith.constant 3 : i32
    %dma_wait3A_202 = arith.constant 0 : i32
    %dma_wait3A_203 = arith.constant 0 : i32
    %dma_wait3A_204 = tpu.memref_slice %arg6[%dma_wait3A_201, %dma_wait3A_202, %dma_wait3A_203] : memref<4x128x64xf32, #tpu.memory_space<vmem>> -> memref<1x128x64xf32, #tpu.memory_space<vmem>>
    %dma_wait3A_205 = tpu.memref_squeeze %dma_wait3A_204 : memref<1x128x64xf32, #tpu.memory_space<vmem>> -> memref<128x64xf32, #tpu.memory_space<vmem>>
    %dma_wait3A_206 = arith.constant 0 : i32
    %dma_wait3A_207 = arith.constant 0 : i32
    %dma_wait3A_208 = tpu.memref_slice %arg3[%dma_wait3A_206, %dma_wait3A_207] : memref<100000x64xf32, #tpu.memory_space<hbm>> -> memref<128x64xf32, #tpu.memory_space<hbm>>
    %dma_wait3A_209 = arith.constant 0 : i32
    %dma_wait3A_210 = arith.constant 0 : i32
    %dma_wait3A_211 = tpu.memref_slice %arg6[%dma_wait3A_201, %dma_wait3A_209, %dma_wait3A_210] : memref<4x128x64xf32, #tpu.memory_space<vmem>> -> memref<1x128x64xf32, #tpu.memory_space<vmem>>
    %dma_wait3A_212 = tpu.memref_squeeze %dma_wait3A_211 : memref<1x128x64xf32, #tpu.memory_space<vmem>> -> memref<128x64xf32, #tpu.memory_space<vmem>>
    %dma_wait3A_213 = arith.constant 0 : i32
    %dma_wait3A_214 = arith.constant 0 : i32
    %dma_wait3A_215 = tpu.memref_slice %arg3[%dma_wait3A_213, %dma_wait3A_214] : memref<100000x64xf32, #tpu.memory_space<hbm>> -> memref<128x64xf32, #tpu.memory_space<hbm>>
    tpu.wait_dma2 semaphore(%arg10 : memref<!tpu.dma_semaphore, #tpu.memory_space<semaphore_mem>>) src(%dma_wait3A_215 : memref<128x64xf32, #tpu.memory_space<hbm>>) dst(%dma_wait3A_212 : memref<128x64xf32, #tpu.memory_space<vmem>>)
    %dma_start3A_216 = arith.constant 3 : i32
    %dma_start3A_217 = arith.constant 99 : i32
    %dma_start3A_218 = arith.constant 0 : i32
    %dma_start3A_219 = arith.constant 0 : i32
    %dma_start3A_220 = tpu.memref_slice %arg6[%dma_start3A_216, %dma_start3A_218, %dma_start3A_219] : memref<4x128x64xf32, #tpu.memory_space<vmem>> -> memref<1x128x64xf32, #tpu.memory_space<vmem>>
    %dma_start3A_221 = tpu.memref_squeeze %dma_start3A_220 : memref<1x128x64xf32, #tpu.memory_space<vmem>> -> memref<128x64xf32, #tpu.memory_space<vmem>>
    %dma_start3A_222 = arith.constant 64 : i32
    %dma_start3A_223 = tpu.memref_slice %arg4[%shift_right_logical3A_1, %dma_start3A_217, %mul3A_4, %dma_start3A_222] : memref<8x100x512x128xf32, #tpu.memory_space<hbm>> -> memref<1x1x128x64xf32, #tpu.memory_space<hbm>>
    %dma_start3A_224 = tpu.memref_squeeze %dma_start3A_223 : memref<1x1x128x64xf32, #tpu.memory_space<hbm>> -> memref<128x64xf32, #tpu.memory_space<hbm>>
    %dma_start3A_225 = arith.constant 64 : i32
    %dma_start3A_226 = tpu.memref_slice %arg4[%shift_right_logical3A_1, %dma_start3A_217, %mul3A_4, %dma_start3A_225] : memref<8x100x512x128xf32, #tpu.memory_space<hbm>> -> memref<1x1x128x64xf32, #tpu.memory_space<hbm>>
    %dma_start3A_227 = tpu.memref_squeeze %dma_start3A_226 : memref<1x1x128x64xf32, #tpu.memory_space<hbm>> -> memref<128x64xf32, #tpu.memory_space<hbm>>
    %dma_start3A_228 = arith.constant 0 : i32
    %dma_start3A_229 = arith.constant 0 : i32
    %dma_start3A_230 = tpu.memref_slice %arg6[%dma_start3A_216, %dma_start3A_228, %dma_start3A_229] : memref<4x128x64xf32, #tpu.memory_space<vmem>> -> memref<1x128x64xf32, #tpu.memory_space<vmem>>
    %dma_start3A_231 = tpu.memref_squeeze %dma_start3A_230 : memref<1x128x64xf32, #tpu.memory_space<vmem>> -> memref<128x64xf32, #tpu.memory_space<vmem>>
    tpu.enqueue_dma source(%dma_start3A_231 : memref<128x64xf32, #tpu.memory_space<vmem>>) target(%dma_start3A_227 : memref<128x64xf32, #tpu.memory_space<hbm>>) target_semaphore(%arg14 : memref<!tpu.dma_semaphore, #tpu.memory_space<semaphore_mem>>)
    %dma_wait3A_232 = arith.constant 3 : i32
    %dma_wait3A_233 = arith.constant 0 : i32
    %dma_wait3A_234 = arith.constant 0 : i32
    %dma_wait3A_235 = arith.constant 0 : i32
    %dma_wait3A_236 = tpu.memref_slice %arg6[%dma_wait3A_232, %dma_wait3A_234, %dma_wait3A_235] : memref<4x128x64xf32, #tpu.memory_space<vmem>> -> memref<1x128x64xf32, #tpu.memory_space<vmem>>
    %dma_wait3A_237 = tpu.memref_squeeze %dma_wait3A_236 : memref<1x128x64xf32, #tpu.memory_space<vmem>> -> memref<128x64xf32, #tpu.memory_space<vmem>>
    %dma_wait3A_238 = arith.constant 0 : i32
    %dma_wait3A_239 = tpu.memref_slice %arg4[%shift_right_logical3A_1, %dma_wait3A_233, %mul3A_4, %dma_wait3A_238] : memref<8x100x512x128xf32, #tpu.memory_space<hbm>> -> memref<1x1x128x64xf32, #tpu.memory_space<hbm>>
    %dma_wait3A_240 = tpu.memref_squeeze %dma_wait3A_239 : memref<1x1x128x64xf32, #tpu.memory_space<hbm>> -> memref<128x64xf32, #tpu.memory_space<hbm>>
    %dma_wait3A_241 = arith.constant 0 : i32
    %dma_wait3A_242 = tpu.memref_slice %arg4[%shift_right_logical3A_1, %dma_wait3A_233, %mul3A_4, %dma_wait3A_241] : memref<8x100x512x128xf32, #tpu.memory_space<hbm>> -> memref<1x1x128x64xf32, #tpu.memory_space<hbm>>
    %dma_wait3A_243 = tpu.memref_squeeze %dma_wait3A_242 : memref<1x1x128x64xf32, #tpu.memory_space<hbm>> -> memref<128x64xf32, #tpu.memory_space<hbm>>
    %dma_wait3A_244 = arith.constant 0 : i32
    %dma_wait3A_245 = arith.constant 0 : i32
    %dma_wait3A_246 = tpu.memref_slice %arg6[%dma_wait3A_232, %dma_wait3A_244, %dma_wait3A_245] : memref<4x128x64xf32, #tpu.memory_space<vmem>> -> memref<1x128x64xf32, #tpu.memory_space<vmem>>
    %dma_wait3A_247 = tpu.memref_squeeze %dma_wait3A_246 : memref<1x128x64xf32, #tpu.memory_space<vmem>> -> memref<128x64xf32, #tpu.memory_space<vmem>>
    tpu.wait_dma2 semaphore(%arg14 : memref<!tpu.dma_semaphore, #tpu.memory_space<semaphore_mem>>) src(%dma_wait3A_247 : memref<128x64xf32, #tpu.memory_space<vmem>>) dst(%dma_wait3A_243 : memref<128x64xf32, #tpu.memory_space<hbm>>)
    return
  }
}

module attributes {stable_mosaic.version = 14 : i64} {
  func.func @trans_tc(%arg0: i32, %arg1: i32, %arg2: memref<1x4x512x128xf32, #tpu.memory_space<vmem>>, %arg3: memref<8x64x512xf32, #tpu.memory_space<vmem>>) attributes {dimension_semantics = [#tpu.dimension_semantics<arbitrary>, #tpu.dimension_semantics<arbitrary>], iteration_bounds = array<i64: 8, 25>, scalar_prefetch = 0 : i64, scratch_operands = 0 : i64, tpu.core_type = #tpu.core_type<tc>, window_params = [{transform_indices = @transform_0, window_bounds = array<i64: 1, 4, 512, 128>}, {transform_indices = @transform_1, window_bounds = array<i64: 8, 64, 512>}]} {
    %get3A = arith.constant 0 : index
    %get3A_0 = arith.constant 0 : index
    %get3A_1 = arith.constant 0 : index
    %get3A_2 = arith.constant 0 : index
    %get3A_3 = vector.load %arg2[%get3A, %get3A_0, %get3A_1, %get3A_2] : memref<1x4x512x128xf32, #tpu.memory_space<vmem>>, vector<1x1x512x128xf32>
    %get3A_4 = vector.shape_cast %get3A_3 : vector<1x1x512x128xf32> to vector<512x128xf32>
    %slice3A = vector.extract_strided_slice %get3A_4 {offsets = [0, 0], sizes = [512, 64], strides = [1, 1]} : vector<512x128xf32> to vector<512x64xf32>
    %transpose3A = tpu.transpose %slice3A, [1, 0] : vector<512x64xf32> -> vector<64x512xf32>
    %swap3A = arith.constant 0 : index
    %swap3A_5 = arith.constant 0 : index
    %swap3A_6 = arith.constant 0 : index
    %swap3A_7 = vector.load %arg3[%swap3A, %swap3A_5, %swap3A_6] : memref<8x64x512xf32, #tpu.memory_space<vmem>>, vector<1x64x512xf32>
    %swap3A_8 = vector.shape_cast %swap3A_7 : vector<1x64x512xf32> to vector<64x512xf32>
    %swap3A_9 = vector.shape_cast %transpose3A : vector<64x512xf32> to vector<1x64x512xf32>
    tpu.vector_store %arg3[%swap3A, %swap3A_5, %swap3A_6], %swap3A_9 {strides = array<i32>} : memref<8x64x512xf32, #tpu.memory_space<vmem>>, vector<1x64x512xf32>,
    %slice3A_10 = vector.extract_strided_slice %get3A_4 {offsets = [0, 64], sizes = [512, 64], strides = [1, 1]} : vector<512x128xf32> to vector<512x64xf32>
    %transpose3A_11 = tpu.transpose %slice3A_10, [1, 0] : vector<512x64xf32> -> vector<64x512xf32>
    %swap3A_12 = arith.constant 1 : index
    %swap3A_13 = arith.constant 0 : index
    %swap3A_14 = arith.constant 0 : index
    %swap3A_15 = vector.load %arg3[%swap3A_12, %swap3A_13, %swap3A_14] : memref<8x64x512xf32, #tpu.memory_space<vmem>>, vector<1x64x512xf32>
    %swap3A_16 = vector.shape_cast %swap3A_15 : vector<1x64x512xf32> to vector<64x512xf32>
    %swap3A_17 = vector.shape_cast %transpose3A_11 : vector<64x512xf32> to vector<1x64x512xf32>
    tpu.vector_store %arg3[%swap3A_12, %swap3A_13, %swap3A_14], %swap3A_17 {strides = array<i32>} : memref<8x64x512xf32, #tpu.memory_space<vmem>>, vector<1x64x512xf32>,
    %get3A_18 = arith.constant 0 : index
    %get3A_19 = arith.constant 1 : index
    %get3A_20 = arith.constant 0 : index
    %get3A_21 = arith.constant 0 : index
    %get3A_22 = vector.load %arg2[%get3A_18, %get3A_19, %get3A_20, %get3A_21] : memref<1x4x512x128xf32, #tpu.memory_space<vmem>>, vector<1x1x512x128xf32>
    %get3A_23 = vector.shape_cast %get3A_22 : vector<1x1x512x128xf32> to vector<512x128xf32>
    %slice3A_24 = vector.extract_strided_slice %get3A_23 {offsets = [0, 0], sizes = [512, 64], strides = [1, 1]} : vector<512x128xf32> to vector<512x64xf32>
    %transpose3A_25 = tpu.transpose %slice3A_24, [1, 0] : vector<512x64xf32> -> vector<64x512xf32>
    %swap3A_26 = arith.constant 2 : index
    %swap3A_27 = arith.constant 0 : index
    %swap3A_28 = arith.constant 0 : index
    %swap3A_29 = vector.load %arg3[%swap3A_26, %swap3A_27, %swap3A_28] : memref<8x64x512xf32, #tpu.memory_space<vmem>>, vector<1x64x512xf32>
    %swap3A_30 = vector.shape_cast %swap3A_29 : vector<1x64x512xf32> to vector<64x512xf32>
    %swap3A_31 = vector.shape_cast %transpose3A_25 : vector<64x512xf32> to vector<1x64x512xf32>
    tpu.vector_store %arg3[%swap3A_26, %swap3A_27, %swap3A_28], %swap3A_31 {strides = array<i32>} : memref<8x64x512xf32, #tpu.memory_space<vmem>>, vector<1x64x512xf32>,
    %slice3A_32 = vector.extract_strided_slice %get3A_23 {offsets = [0, 64], sizes = [512, 64], strides = [1, 1]} : vector<512x128xf32> to vector<512x64xf32>
    %transpose3A_33 = tpu.transpose %slice3A_32, [1, 0] : vector<512x64xf32> -> vector<64x512xf32>
    %swap3A_34 = arith.constant 3 : index
    %swap3A_35 = arith.constant 0 : index
    %swap3A_36 = arith.constant 0 : index
    %swap3A_37 = vector.load %arg3[%swap3A_34, %swap3A_35, %swap3A_36] : memref<8x64x512xf32, #tpu.memory_space<vmem>>, vector<1x64x512xf32>
    %swap3A_38 = vector.shape_cast %swap3A_37 : vector<1x64x512xf32> to vector<64x512xf32>
    %swap3A_39 = vector.shape_cast %transpose3A_33 : vector<64x512xf32> to vector<1x64x512xf32>
    tpu.vector_store %arg3[%swap3A_34, %swap3A_35, %swap3A_36], %swap3A_39 {strides = array<i32>} : memref<8x64x512xf32, #tpu.memory_space<vmem>>, vector<1x64x512xf32>,
    %get3A_40 = arith.constant 0 : index
    %get3A_41 = arith.constant 2 : index
    %get3A_42 = arith.constant 0 : index
    %get3A_43 = arith.constant 0 : index
    %get3A_44 = vector.load %arg2[%get3A_40, %get3A_41, %get3A_42, %get3A_43] : memref<1x4x512x128xf32, #tpu.memory_space<vmem>>, vector<1x1x512x128xf32>
    %get3A_45 = vector.shape_cast %get3A_44 : vector<1x1x512x128xf32> to vector<512x128xf32>
    %slice3A_46 = vector.extract_strided_slice %get3A_45 {offsets = [0, 0], sizes = [512, 64], strides = [1, 1]} : vector<512x128xf32> to vector<512x64xf32>
    %transpose3A_47 = tpu.transpose %slice3A_46, [1, 0] : vector<512x64xf32> -> vector<64x512xf32>
    %swap3A_48 = arith.constant 4 : index
    %swap3A_49 = arith.constant 0 : index
    %swap3A_50 = arith.constant 0 : index
    %swap3A_51 = vector.load %arg3[%swap3A_48, %swap3A_49, %swap3A_50] : memref<8x64x512xf32, #tpu.memory_space<vmem>>, vector<1x64x512xf32>
    %swap3A_52 = vector.shape_cast %swap3A_51 : vector<1x64x512xf32> to vector<64x512xf32>
    %swap3A_53 = vector.shape_cast %transpose3A_47 : vector<64x512xf32> to vector<1x64x512xf32>
    tpu.vector_store %arg3[%swap3A_48, %swap3A_49, %swap3A_50], %swap3A_53 {strides = array<i32>} : memref<8x64x512xf32, #tpu.memory_space<vmem>>, vector<1x64x512xf32>,
    %slice3A_54 = vector.extract_strided_slice %get3A_45 {offsets = [0, 64], sizes = [512, 64], strides = [1, 1]} : vector<512x128xf32> to vector<512x64xf32>
    %transpose3A_55 = tpu.transpose %slice3A_54, [1, 0] : vector<512x64xf32> -> vector<64x512xf32>
    %swap3A_56 = arith.constant 5 : index
    %swap3A_57 = arith.constant 0 : index
    %swap3A_58 = arith.constant 0 : index
    %swap3A_59 = vector.load %arg3[%swap3A_56, %swap3A_57, %swap3A_58] : memref<8x64x512xf32, #tpu.memory_space<vmem>>, vector<1x64x512xf32>
    %swap3A_60 = vector.shape_cast %swap3A_59 : vector<1x64x512xf32> to vector<64x512xf32>
    %swap3A_61 = vector.shape_cast %transpose3A_55 : vector<64x512xf32> to vector<1x64x512xf32>
    tpu.vector_store %arg3[%swap3A_56, %swap3A_57, %swap3A_58], %swap3A_61 {strides = array<i32>} : memref<8x64x512xf32, #tpu.memory_space<vmem>>, vector<1x64x512xf32>,
    %get3A_62 = arith.constant 0 : index
    %get3A_63 = arith.constant 3 : index
    %get3A_64 = arith.constant 0 : index
    %get3A_65 = arith.constant 0 : index
    %get3A_66 = vector.load %arg2[%get3A_62, %get3A_63, %get3A_64, %get3A_65] : memref<1x4x512x128xf32, #tpu.memory_space<vmem>>, vector<1x1x512x128xf32>
    %get3A_67 = vector.shape_cast %get3A_66 : vector<1x1x512x128xf32> to vector<512x128xf32>
    %slice3A_68 = vector.extract_strided_slice %get3A_67 {offsets = [0, 0], sizes = [512, 64], strides = [1, 1]} : vector<512x128xf32> to vector<512x64xf32>
    %transpose3A_69 = tpu.transpose %slice3A_68, [1, 0] : vector<512x64xf32> -> vector<64x512xf32>
    %swap3A_70 = arith.constant 6 : index
    %swap3A_71 = arith.constant 0 : index
    %swap3A_72 = arith.constant 0 : index
    %swap3A_73 = vector.load %arg3[%swap3A_70, %swap3A_71, %swap3A_72] : memref<8x64x512xf32, #tpu.memory_space<vmem>>, vector<1x64x512xf32>
    %swap3A_74 = vector.shape_cast %swap3A_73 : vector<1x64x512xf32> to vector<64x512xf32>
    %swap3A_75 = vector.shape_cast %transpose3A_69 : vector<64x512xf32> to vector<1x64x512xf32>
    tpu.vector_store %arg3[%swap3A_70, %swap3A_71, %swap3A_72], %swap3A_75 {strides = array<i32>} : memref<8x64x512xf32, #tpu.memory_space<vmem>>, vector<1x64x512xf32>,
    %slice3A_76 = vector.extract_strided_slice %get3A_67 {offsets = [0, 64], sizes = [512, 64], strides = [1, 1]} : vector<512x128xf32> to vector<512x64xf32>
    %transpose3A_77 = tpu.transpose %slice3A_76, [1, 0] : vector<512x64xf32> -> vector<64x512xf32>
    %swap3A_78 = arith.constant 7 : index
    %swap3A_79 = arith.constant 0 : index
    %swap3A_80 = arith.constant 0 : index
    %swap3A_81 = vector.load %arg3[%swap3A_78, %swap3A_79, %swap3A_80] : memref<8x64x512xf32, #tpu.memory_space<vmem>>, vector<1x64x512xf32>
    %swap3A_82 = vector.shape_cast %swap3A_81 : vector<1x64x512xf32> to vector<64x512xf32>
    %swap3A_83 = vector.shape_cast %transpose3A_77 : vector<64x512xf32> to vector<1x64x512xf32>
    tpu.vector_store %arg3[%swap3A_78, %swap3A_79, %swap3A_80], %swap3A_83 {strides = array<i32>} : memref<8x64x512xf32, #tpu.memory_space<vmem>>, vector<1x64x512xf32>,
    return
  }
  func.func @transform_0(%arg0: i32, %arg1: i32) -> (i32, i32, i32, i32) {
    %c0_i32 = arith.constant 0 : i32
    %c0_i32_0 = arith.constant 0 : i32
    %c0_i32_1 = arith.constant 0 : i32
    return %arg0, %arg1, %c0_i32, %c0_i32_0 : i32, i32, i32, i32
  }
  func.func @transform_1(%arg0: i32, %arg1: i32) -> (i32, i32, i32) {
    %c0_i32 = arith.constant 0 : i32
    %c0_i32_0 = arith.constant 0 : i32
    return %arg1, %c0_i32, %arg0 : i32, i32, i32
  }
}

</mosaic_0001>

<sc_bundles>
// kernel: kernel.4.cloned.1.call-start
scs
__scs_entry_jumppad:
0x0: {  	(pc) =	sbr.rel $0x88, $3  }
0x1: {  	(tag) =	ssettag $0x0;
	lr =	simm.s32 $0x1  }
0x2: {  	[smem:$0x3F9F] =	sst lr;
	_ =	strace $0xD0000000  }
0x3: {  	_ = 	snop  }
0x4: {  	_ = 	snop  }
0x5: {  	_ = 	snop  }
0x6: {  	_ = 	snop  }
0x7: {  	_ = 	snop  }
__scs_overlays_trampoline_lowered:
0x8: {  	[smem:$0x3FAE] =	sst s0  }
0x9: {  	[smem:$0x3FAF] =	sst s1  }
0xa: {  	[smem:$0x3FB0] =	sst s2  }
0xb: {  	[smem:$0x3FB1] =	sst s3  }
0xc: {  	[smem:$0x3FB2] =	sst s4  }
0xd: {  	[smem:$0x3FB3] =	sst s5  }
0xe: {  	[smem:$0x3FB4] =	sst s6  }
0xf: {  	[smem:$0x3FB5] =	sst s7  }
0x10: {  	[smem:$0x3FB6] =	sst s8  }
0x11: {  	[smem:$0x3FB7] =	sst s9;
	s0 =	simm.s32 @!p0 $0x0  }
0x12: {  	s1 =	sld [smem:$0x3F9D];
	s0 =	simm.s32 @p0 $0x1  }
0x13: {  	[smem:$0x3FB8] =	sst s0;
	s0 =	simm.s32 @!p1 $0x0  }
0x14: {  	s2 =	sld [smem:$0x3F9C];
	s0 =	simm.s32 @p1 $0x1  }
0x15: {  	[smem:$0x3FB9] =	sst s0;
	s0 =	simm.s32 @!p2 $0x0  }
0x16: {  	s3 =	sld [smem:$0x3FDB];
	s0 =	simm.s32 @p2 $0x1  }
0x17: {  	s4 =	simm.s32 $0x1BF5;
	[smem:$0x3FBB] =	sst s0  }
0x18: {  	s0 =	sld [smem:$0x3F9E];
	_ =	swait.ge [sflag:s4], $0x0  }
0x19: {  	s7 =	sld [smem:$0x3F9F]  }
0x1a: {  	s8 =	sadd.s32 $0xFFFFE003, lr  }
0x1b: {  	s9 =	sadd.s32 $0xFFFFFEF7, lr;
	s5 =	simm.s32 $0xFFFFFFFF;
	p2 =	slt.u32 s8, $0xFFFFF086  }
0x1c: {  	p1 =	slt.u32 s9, $0xF7A;
	s5 =	simm.s32 @!p2 $0x0  }
0x1d: {  	s5 =	simm.s32 @p1 $0x1;
	p0 =	seq.s32 s7, s2  }
0x1e: {  	s7 =	smul.u32 @!p0 $0xF7A, s2;
	p2 =	seq.s32 @!p0 s5, $0x0  }
0x1f: {  	s9 =	smul.u32 $0xF7A, s1;
	s8 =	simm.s32 @!p0 $0x1BF5;
	p2 =	por !p2, p0  }
0x20: {  	[sflag:s8] =	ssyncset.s32 @!p0 $0xFFFFF086;
	s6 =	sadd.s32 @!p0 s3, s7;
	s7 =	simm.s32 @!p0 $0x108  }
0x21: {  	s3 =	sadd.s32 s3, s9;
	s6 =	sadd.s32 @!p0 $0x88, s6;
	s7 =	simm.s32 @p2 $0x1082  }
0x22: {  	[simem:s7], [sflag:s8] =	dma.local @!p0 [hbm:s6], $0xF7A  }
0x23: {  	s9 =	sor.u32 $0xD0000000, s2;
	s6 =	simm.s32 $0x108;
	_ =	swait.ge @!p0 [sflag:s8], $0x0  }
0x24: {  	s3 =	sadd.s32 $0x88, s3;
	s6 =	simm.s32 @!p1 $0x1082;
	[sflag:s4] =	ssyncset.s32 $0xFFFFF086  }
0x25: {  	[simem:s6], [sflag:s4] =	dma.local [hbm:s3], $0xF7A  }
0x26: {  	[smem:$0x3F9F] =	sst s1;
	(tag) =	ssettag s2;
	_ =	strace s9  }
0x27: {  	s1 =	sld [smem:$0x3FAF]  }
0x28: {  	s2 =	sld [smem:$0x3FB0]  }
0x29: {  	s4 =	sld [smem:$0x3FB2]  }
0x2a: {  	p0 =	seq.s32 s5, $0x0;
	s5 =	sld [smem:$0x3FB3]  }
0x2b: {  	s6 =	sld [smem:$0x3FB4]  }
0x2c: {  	s7 =	sld [smem:$0x3FB5]  }
0x2d: {  	s3 =	simm.s32 $0x108;
	s8 =	sld [smem:$0x3FB6]  }
0x2e: {  	s3 =	simm.s32 @!p0 $0x1082;
	s9 =	sld [smem:$0x3FB7]  }
0x2f: {  	lr =	sadd.s32 s0, s3;
	s0 =	sld [smem:$0x3FAE]  }
0x30: {  	s3 =	sld [smem:$0x3FB1]  }
0x31: {  	[smem:$0x3FBA] =	sst s10  }
0x32: {  	s10 =	sld [smem:$0x3FB8];
	_ =	sdelay $0x3  }
0x33: {  	p0 =	seq.s32 s10, $0x1;
	s10 =	sld [smem:$0x3FBA];
	_ =	sdelay $0x3  }
0x34: {  	[smem:$0x3FBA] =	sst s10  }
0x35: {  	s10 =	sld [smem:$0x3FB9];
	_ =	sdelay $0x3  }
0x36: {  	p1 =	seq.s32 s10, $0x1;
	s10 =	sld [smem:$0x3FBA];
	_ =	sdelay $0x3  }
0x37: {  	[smem:$0x3FBA] =	sst s10  }
0x38: {  	s10 =	sld [smem:$0x3FBB]  }
0x39: {  	_ = 	snop;
	(pc) =	sbr.ind lr, $3  }
0x3a: {  	_ = 	snop  }
0x3b: {  	_ = 	snop  }
0x3c: {  	p2 =	seq.s32 s10, $0x1;
	s10 =	sld [smem:$0x3FBA]  }
0x3d: {  	_ =	shalt  }
0x3e: {  	_ =	shalt  }
0x3f: {  	_ =	shalt  }
0x40: {  	_ =	shalt  }
0x41: {  	_ =	shalt  }
0x42: {  	_ =	shalt  }
0x43: {  	_ =	shalt  }
0x44: {  	_ =	shalt  }
0x45: {  	_ =	shalt  }
0x46: {  	_ =	shalt  }
0x47: {  	_ =	shalt  }
0x48: {  	_ =	shalt  }
0x49: {  	_ =	shalt  }
0x4a: {  	_ =	shalt  }
0x4b: {  	_ =	shalt  }
0x4c: {  	_ =	shalt  }
0x4d: {  	_ =	shalt  }
0x4e: {  	_ =	shalt  }
0x4f: {  	_ =	shalt  }
0x50: {  	_ =	shalt  }
0x51: {  	_ =	shalt  }
0x52: {  	_ =	shalt  }
0x53: {  	_ =	shalt  }
0x54: {  	_ =	shalt  }
0x55: {  	_ =	shalt  }
0x56: {  	_ =	shalt  }
0x57: {  	_ =	shalt  }
0x58: {  	_ =	shalt  }
0x59: {  	_ =	shalt  }
0x5a: {  	_ =	shalt  }
0x5b: {  	_ =	shalt  }
0x5c: {  	_ =	shalt  }
0x5d: {  	_ =	shalt  }
0x5e: {  	_ =	shalt  }
0x5f: {  	_ =	shalt  }
0x60: {  	_ =	shalt  }
0x61: {  	_ =	shalt  }
0x62: {  	_ =	shalt  }
0x63: {  	_ =	shalt  }
0x64: {  	_ =	shalt  }
0x65: {  	_ =	shalt  }
0x66: {  	_ =	shalt  }
0x67: {  	_ =	shalt  }
0x68: {  	_ =	shalt  }
0x69: {  	_ =	shalt  }
0x6a: {  	_ =	shalt  }
0x6b: {  	_ =	shalt  }
0x6c: {  	_ =	shalt  }
0x6d: {  	_ =	shalt  }
0x6e: {  	_ =	shalt  }
0x6f: {  	_ =	shalt  }
0x70: {  	_ =	shalt  }
0x71: {  	_ =	shalt  }
0x72: {  	_ =	shalt  }
0x73: {  	_ =	shalt  }
0x74: {  	_ =	shalt  }
0x75: {  	_ =	shalt  }
0x76: {  	_ =	shalt  }
0x77: {  	_ =	shalt  }
0x78: {  	_ =	shalt  }
0x79: {  	_ =	shalt  }
0x7a: {  	_ =	shalt  }
0x7b: {  	_ =	shalt  }
0x7c: {  	_ =	shalt  }
0x7d: {  	_ =	shalt  }
0x7e: {  	_ =	shalt  }
0x7f: {  	_ =	shalt  }
0x80: {  	_ =	shalt  }
0x81: {  	_ =	shalt  }
0x82: {  	_ =	shalt  }
0x83: {  	_ =	shalt  }
0x84: {  	_ =	shalt  }
0x85: {  	_ =	shalt  }
0x86: {  	_ =	shalt  }
0x87: {  	_ =	shalt  }
.Lfunc_end0:
.L_simem_size_0:
called_computation_lowered:
.L_overlay_start_0:
0x88: {  	s2 =	sld [smem:$0x3FD9]  }
0x89: {  	s3 =	sld [smem:$0x3FFE];
	_ =	sdelay $0x1  }
0x8a: {  	s1 =	srdreg.scid  }
0x8b: {  	s0 =	sand.u32 $0x1, s1  }
0x8c: {  	s17 =	sshll.u32 s0, $0xA;
	s2 =	sadd.s32 s3, s2  }
0x8d: {  	s2 =	sadd.s32 s2, s17  }
0x8e: {  	[smem:$0x3FC6] =	sst s2  }
0x8f: {  	_ = 	snop  }
0x90: {  	s2 =	sld [smem:$0x3FC9];
	(tm) =	ssettm $0x1  }
0x91: {  	s18 =	sld [smem:$0x3FFB];
	_ =	sdelay $0x3  }
0x92: {  	_ =	strace s18  }
0x93: {  	s3 =	sld [smem:$0x3FFC];
	_ =	sdelay $0x3  }
0x94: {  	_ =	strace s3  }
0x95: {  	s3 =	sld [smem:$0x3FFD];
	_ =	sdelay $0x3  }
0x96: {  	_ =	strace s3  }
0x97: {  	_ =	strace $0x8FFFFFFF  }
0x98: {  	s19 =	sld [smem:$0x3FDB];
	_ =	sdelay $0x1  }
0x99: {  	s4 =	simm.s32 $_scs_section_size  }
0x9a: {  	s5 =	simm.s32 $_size__tile_overlayer_lowered;
	s6 =	simm.s32 $_tile_overlayer_lowered  }
0x9b: {  	s22 =	simm.s32 $0x1BFF;
	s21 =	sshll.u32 s6, $0x1;
	s3 =	sadd.s32 s4, s19  }
0x9c: {  	s7 =	simm.s32 $0x0;
	s20 =	sshll.u32 s5, $0x1;
	s5 =	sadd.s32 s21, s3  }
0x9d: {  	[timem:s7], [sflag:s22] =	dma.local [hbm:s5], s20  }
0x9e: {  	_ =	swait.ge [sflag:s22], s20  }
0x9f: {  	s4 =	ssub.s32 $0x0, s20;
	[sflag:s22] =	ssyncset.done $0x0  }
0xa0: {  	[sflag:s22] =	ssyncadd.s32 s4;
	_ =	sdelay $0x1  }
0xa1: {  	s23 =	simm.s32 $0x1B8B  }
0xa2: {  	_ =	swait.ge [sflag:s23], $0x1  }
0xa3: {  	[sflag:s23] =	ssyncset.done $0x0  }
0xa4: {  	s25 =	simm.s32 $0x1B8E;
	s24 =	sld [smem:$0x3FFE];
	[sflag:s23] =	ssyncadd.s32 $0xFFFFFFFF  }
0xa5: {  	s26 =	simm.s32 $execute0_lowered;
	[smem:$0x3FD2] =	sst s25  }
0xa6: {  	s5 =	sshll.u32 s26, $0x1;
	_ =	strace $0x80000046;
	[dreg:$0x1] =	wrdreg $0xFFFFFFFF  }
0xa7: {  	s28 =	simm.s32 $_size_execute0_lowered;
	s3 =	sadd.s32 s3, s5;
	[dreg:$0x0] =	wrdreg $0x0  }
0xa8: {  	s5 =	sshll.u32 s28, $0x1;
	[dreg:$0x2] =	wrdreg s3  }
0xa9: {  	[dreg:$0x3] =	wrdreg s5  }
0xaa: {  	[dreg:$0x4] =	wrdreg $0xC0  }
0xab: {  	_ =	task [dreg:s7], $0x5FFFF  }
0xac: {  	[dreg:$0x1] =	wrdreg $0xFFFFFFFF  }
0xad: {  	[dreg:$0x0] =	wrdreg $0x60  }
0xae: {  	[dreg:$0x2] =	wrdreg s2  }
0xaf: {  	[dreg:$0x3] =	wrdreg s24  }
0xb0: {  	[dreg:$0x4] =	wrdreg $0x9  }
0xb1: {  	_ =	task.clear_ibuf [dreg:s7], $0x5FFFF;
	_ =	strace $0x90000046  }
0xb2: {  	s29 =	simm.s32 $0x9;
	_ =	strace $0x80000048  }
0xb3: {  	_ =	swait.ge [sflag:s29], $0x1  }
0xb4: {  	[sflag:s29] =	ssyncadd.s32 $0xFFFFFFFF  }
0xb5: {  	_ =	strace $0x90000048  }
0xb6: {  	_ =	sfence  }
0xb7: {  	s30 =	sld [smem:$0x0];
	_ =	sdelay $0x2  }
0xb8: {  	s31 =	sshll.u32 s1, $0xD;
	s1 =	sshrl.u32 s1, $0x2  }
0xb9: {  	s3 =	sand.u32 $0x4000, s31;
	s1 =	sadd.s32 s1, s30  }
0xba: {  	s0 =	sor.u32 s3, s0;
	s1 =	sshll.u32 s1, $0x11  }
0xbb: {  	s0 =	sor.u32 s1, s0  }
0xbc: {  	s0 =	sadd.s32 $0x8F2B, s0  }
0xbd: {  	[sflag:s0] =	ssyncadd.remote.s32 $0x1  }
0xbe: {  	_ =	sfence.sel $0xFFFF  }
0xbf: {  	[dreg:$0x0] =	wrdreg $0xFFFFFFFF;
	(pc) =	sbr.abs _section_cstart, $3  }
0xc0: {  	[dreg:$0x1] =	wrdreg $0xFFFFFFFF  }
0xc1: {  	_ =	task.clear_ibuf [dreg:s7], $0x2FFFF;
	_ =	strace $0x9FFFFFFF  }
0xc2: {  	(tm) =	ssettm $0x7FFFFFFF  }
0xc3: {  	_ =	shalt  }
tec
execute0_lowered:
.L_overlay_start_1:
0x0: {  	(tag) =	ssettag $0x1  }
0x1: {  	s0 =	rddreg [dreg:$0x0]  }
0x2: {  	s1 =	rddreg [dreg:$0x1];
	s2 =	simm.s32 $0x0  }
0x3: {  	s3 =	srdreg.scid;
	s10 =	stileid.u32;
	s14 =	simm.s32 $0x9  }
0x4: {  	s15 =	simm.s32 $0x80;
	s16 =	simm.s32 $0x6400;
	s17 =	simm.s32 $0x8400  }
0x5: {  	s19 =	simm.s32 $0xA400;
	s28 =	simm.s32 $0x3;
	s29 =	simm.s32 $0x7  }
0x6: {  	s30 =	simm.s32 $0x4;
	s31 =	simm.s32 $0x8;
	[smem:$0x7FF] =	sst s2  }
0x7: {  	s4 =	sand.u32 $0x1, s3;
	s5 =	sshll.u32 s10, $0x8;
	s3 =	sadd.s32 $0x400, s1  }
0x8: {  	s7 =	sshrl.u32 s10, $0x1;
	s1 =	sadd.s32 $0xC3A00, s1;
	s10 =	sshll.u32 s10, $0xF  }
0x9: {  	_ =	strace $0x80000047;
	s6 =	sshll.u32 s4, $0x7;
	s20 =	ssub.s32 $0x2, s4  }
0xa: {  	s7 =	smul.u32 $0x640000, s7;
	s4 =	sshll.u32 s4, $0xE;
	s5 =	sor.u32 s6, s5  }
0xb: {  	s9 =	sshrl.u32 s20, $0x1;
	s22 =	sor.u32 s4, s10;
	s8 =	sshll.u32 s5, $0x7  }
0xc: {  	s9 =	ssub.s32 s20, s9;
	s4 =	sadd.s32 s0, s5;
	s8 =	sand.u32 $0xC000, s8  }
0xd: {  	s0 =	simm.s32 $0x0;
	s9 =	smax.u32 s9, $0x1;
	s8 =	sor.u32 s8, s7  }
0xe: {  	s21 =	sshrl.u32 s8, $0x3;
	s8 =	sand.u32 $0xC000, s22;
	s22 =	simm.s32 $0x1  }
0xf: {  	s23 =	sadd.s32 s1, s21;
	s8 =	sor.u32 s8, s7;
	s21 =	simm.s32 $0xC400  }
0x10: {  	s5 =	sadd.s32 $0xC4000, s23;
	s6 =	sadd.s32 $0xC4008, s23;
	s7 =	sadd.s32 $0xC6000, s23  }
0x11: {  	s24 =	sshrl.u32 s8, $0x3;
	s11 =	sor.u32 $0x10000, s8;
	s8 =	sadd.s32 $0xC6008, s23  }
0x12: {  	s23 =	simm.s32 $0x40;
	s25 =	sadd.s32 s24, s1;
	s11 =	sshrl.u32 s11, $0x3  }
0x13: {  	s24 =	simm.s32 $0x5;
	s10 =	sadd.s32 $0x8, s25;
	s26 =	sadd.s32 s11, s1  }
0x14: {  	s25 =	simm.s32 $0x2;
	s11 =	sadd.s32 $0x8, s26;
	s26 =	simm.s32 $0x6  }
.LBB2_1:
0x15: {  	s1 =	simm.s32 $0x400;
	s12 =	simm.s32 $0x8000  }
0x16: {  	[tilespmem:s2], [sflag:$0x9] =	stream.strided.gather [hbm4b:s4+s1], $0x6400, s12, s1, $0x38;
	[tilespmem:$0xE400] =	vst v63  }
0x17: {  	_ =	swait.ge [sflag:s14], $0x6400  }
0x18: {  	[sflag:s14] =	ssyncset.done $0x0  }
0x19: {  	[sflag:s14] =	ssyncadd.s32 $0xFFFF9C00  }
0x1a: {  	[tilespmem:s16], [sflag:$0x1] =	stream.indirect.gather [hbm4b:s3+s15], $0x40, s2, s15, $0xb8;
	[tilespmem:$0xE400] =	vst v63  }
0x1b: {  	_ = 	snop  }
0x1c: {  	[tilespmem:s17], [sflag:$0x2] =	stream.indirect.gather [hbm4b:s3+s15], $0x40, s15, s15, $0xb8;
	[tilespmem:$0xE400] =	vst v63  }
0x1d: {  	s13 =	simm.s32 $0x100  }
0x1e: {  	[tilespmem:s19], [sflag:$0x3] =	stream.indirect.gather [hbm4b:s3+s15], $0x40, s13, s15, $0xb8;
	[tilespmem:$0xE400] =	vst v63  }
0x1f: {  	s18 =	simm.s32 $0x180  }
0x20: {  	[tilespmem:s21], [sflag:$0x4] =	stream.indirect.gather [hbm4b:s3+s15], $0x40, s18, s15, $0xb8;
	[tilespmem:$0xE400] =	vst v63  }
0x21: {  	_ =	swait.ge [sflag:s22], $0x2000  }
0x22: {  	[sflag:s22] =	ssyncset.done $0x0  }
0x23: {  	s20 =	sadd.s32 $0xFFFFFFF8, s10;
	[sflag:s22] =	ssyncadd.s32 $0xFFFFE000  }
0x24: {  	[hbm4b:s20+s23] =	stream.strided.scatter [tilespmem:s16], [sflag:$0x5], $0x2000, s15, s23, $0x38;
	[tilespmem:$0xE400] =	vst v63  }
0x25: {  	_ =	swait.ge [sflag:s24], $0x2000  }
0x26: {  	s12 =	simm.s32 $0x200;
	[sflag:s24] =	ssyncset.done $0x0  }
0x27: {  	s1 =	sand.u32 $0xFE00, s12;
	[sflag:s24] =	ssyncadd.s32 $0xFFFFE000  }
0x28: {  	[tilespmem:s16], [sflag:$0x1] =	stream.indirect.gather [hbm4b:s3+s15], $0x40, s1, s15, $0xb8;
	[tilespmem:$0xE400] =	vst v63  }
0x29: {  	_ =	swait.ge [sflag:s25], $0x2000  }
0x2a: {  	[sflag:s25] =	ssyncset.done $0x0  }
0x2b: {  	[sflag:s25] =	ssyncadd.s32 $0xFFFFE000  }
0x2c: {  	[hbm4b:s10+s23] =	stream.strided.scatter [tilespmem:s17], [sflag:$0x6], $0x2000, s15, s23, $0x38;
	[tilespmem:$0xE400] =	vst v63  }
0x2d: {  	_ =	swait.ge [sflag:s26], $0x2000  }
0x2e: {  	s13 =	simm.s32 $0x280;
	[sflag:s26] =	ssyncset.done $0x0  }
0x2f: {  	s1 =	sand.u32 $0xFE80, s13;
	[sflag:s26] =	ssyncadd.s32 $0xFFFFE000  }
0x30: {  	[tilespmem:s17], [sflag:$0x2] =	stream.indirect.gather [hbm4b:s3+s15], $0x40, s1, s15, $0xb8;
	[tilespmem:$0xE400] =	vst v63  }
0x31: {  	_ =	swait.ge [sflag:s28], $0x2000  }
0x32: {  	[sflag:s28] =	ssyncset.done $0x0  }
0x33: {  	s18 =	sadd.s32 $0xFFFFFFF8, s11;
	[sflag:s28] =	ssyncadd.s32 $0xFFFFE000  }
0x34: {  	[hbm4b:s18+s23] =	stream.strided.scatter [tilespmem:s19], [sflag:$0x7], $0x2000, s15, s23, $0x38;
	[tilespmem:$0xE400] =	vst v63  }
0x35: {  	_ =	swait.ge [sflag:s29], $0x2000  }
0x36: {  	s20 =	simm.s32 $0x300;
	[sflag:s29] =	ssyncset.done $0x0  }
0x37: {  	s1 =	sand.u32 $0xFF00, s20;
	[sflag:s29] =	ssyncadd.s32 $0xFFFFE000  }
0x38: {  	[tilespmem:s19], [sflag:$0x3] =	stream.indirect.gather [hbm4b:s3+s15], $0x40, s1, s15, $0xb8;
	[tilespmem:$0xE400] =	vst v63  }
0x39: {  	_ =	swait.ge [sflag:s30], $0x2000  }
0x3a: {  	[sflag:s30] =	ssyncset.done $0x0  }
0x3b: {  	[sflag:s30] =	ssyncadd.s32 $0xFFFFE000  }
0x3c: {  	[hbm4b:s11+s23] =	stream.strided.scatter [tilespmem:s21], [sflag:$0x8], $0x2000, s15, s23, $0x38;
	[tilespmem:$0xE400] =	vst v63  }
0x3d: {  	s13 =	simm.s32 $0x380;
	_ =	swait.ge [sflag:s31], $0x2000  }
0x3e: {  	s12 =	sadd.s32 $0x4000, s11;
	s18 =	sand.u32 $0xFF80, s13;
	[sflag:s31] =	ssyncset.done $0x0  }
0x3f: {  	s13 =	sadd.s32 $0x4000, s10;
	s1 =	simm.s32 $0x580;
	[sflag:s31] =	ssyncadd.s32 $0xFFFFE000  }
.LBB2_2:
0x40: {  	[tilespmem:s21], [sflag:$0x4] =	stream.indirect.gather [hbm4b:s3+s15], $0x40, s18, s15, $0xb8;
	[tilespmem:$0xE400] =	vst v63  }
0x41: {  	s18 =	smov.u32 s1  }
0x42: {  	p0 =	sne.s32 s1, $0x6380;
	s1 =	sadd.s32 $0x200, s1;
	_ =	swait.ge [sflag:s22], $0x2000  }
0x43: {  	[sflag:s22] =	ssyncset.done $0x0  }
0x44: {  	s20 =	sadd.s32 $0xFFFFFFF8, s13;
	[sflag:s22] =	ssyncadd.s32 $0xFFFFE000  }
0x45: {  	[hbm4b:s20+s23] =	stream.strided.scatter [tilespmem:s16], [sflag:$0x5], $0x2000, s15, s23, $0x38;
	[tilespmem:$0xE400] =	vst v63  }
0x46: {  	_ =	swait.ge [sflag:s24], $0x2000  }
0x47: {  	s20 =	sadd.s32 $0xFFFFFE80, s18;
	[sflag:s24] =	ssyncset.done $0x0  }
0x48: {  	s20 =	sand.u32 $0xFE00, s20;
	[sflag:s24] =	ssyncadd.s32 $0xFFFFE000  }
0x49: {  	[tilespmem:s16], [sflag:$0x1] =	stream.indirect.gather [hbm4b:s3+s15], $0x40, s20, s15, $0xb8;
	[tilespmem:$0xE400] =	vst v63  }
0x4a: {  	_ =	swait.ge [sflag:s25], $0x2000  }
0x4b: {  	[sflag:s25] =	ssyncset.done $0x0  }
0x4c: {  	[sflag:s25] =	ssyncadd.s32 $0xFFFFE000  }
0x4d: {  	[hbm4b:s13+s23] =	stream.strided.scatter [tilespmem:s17], [sflag:$0x6], $0x2000, s15, s23, $0x38;
	[tilespmem:$0xE400] =	vst v63  }
0x4e: {  	_ =	swait.ge [sflag:s26], $0x2000  }
0x4f: {  	s20 =	sadd.s32 $0xFFFFFF00, s18;
	[sflag:s26] =	ssyncset.done $0x0  }
0x50: {  	s20 =	sand.u32 $0xFE80, s20;
	[sflag:s26] =	ssyncadd.s32 $0xFFFFE000  }
0x51: {  	[tilespmem:s17], [sflag:$0x2] =	stream.indirect.gather [hbm4b:s3+s15], $0x40, s20, s15, $0xb8;
	[tilespmem:$0xE400] =	vst v63  }
0x52: {  	_ =	swait.ge [sflag:s28], $0x2000  }
0x53: {  	[sflag:s28] =	ssyncset.done $0x0  }
0x54: {  	s20 =	sadd.s32 $0xFFFFFFF8, s12;
	[sflag:s28] =	ssyncadd.s32 $0xFFFFE000  }
0x55: {  	[hbm4b:s20+s23] =	stream.strided.scatter [tilespmem:s19], [sflag:$0x7], $0x2000, s15, s23, $0x38;
	[tilespmem:$0xE400] =	vst v63  }
0x56: {  	_ =	swait.ge [sflag:s29], $0x2000  }
0x57: {  	s20 =	sadd.s32 $0xFFFFFF80, s18;
	[sflag:s29] =	ssyncset.done $0x0  }
0x58: {  	s20 =	sand.u32 $0xFF00, s20;
	[sflag:s29] =	ssyncadd.s32 $0xFFFFE000  }
0x59: {  	[tilespmem:s19], [sflag:$0x3] =	stream.indirect.gather [hbm4b:s3+s15], $0x40, s20, s15, $0xb8;
	[tilespmem:$0xE400] =	vst v63  }
0x5a: {  	_ =	swait.ge [sflag:s30], $0x2000  }
0x5b: {  	[sflag:s30] =	ssyncset.done $0x0  }
.Ltmp0:
0x5c: {  	[sflag:s30] =	ssyncadd.s32 $0xFFFFE000;
	(pc) =	sbr.rel @p0 .LBB2_2-.Ltmp0, $4  }
0x5d: {  	[hbm4b:s12+s23] =	stream.strided.scatter [tilespmem:s21], [sflag:$0x8], $0x2000, s15, s23, $0x38;
	[tilespmem:$0xE400] =	vst v63  }
0x5e: {  	_ =	swait.ge [sflag:s31], $0x2000  }
0x5f: {  	s12 =	sadd.s32 $0x4000, s12;
	[sflag:s31] =	ssyncset.done $0x0  }
0x60: {  	s13 =	sadd.s32 $0x4000, s13;
	s18 =	sand.u32 $0xFF80, s18;
	[sflag:s31] =	ssyncadd.s32 $0xFFFFE000  }
0x61: {  	[tilespmem:s21], [sflag:$0x4] =	stream.indirect.gather [hbm4b:s3+s15], $0x40, s18, s15, $0xb8;
	[tilespmem:$0xE400] =	vst v63  }
0x62: {  	_ =	swait.ge [sflag:s22], $0x2000  }
0x63: {  	[sflag:s22] =	ssyncset.done $0x0  }
0x64: {  	[sflag:s22] =	ssyncadd.s32 $0xFFFFE000  }
0x65: {  	[hbm4b:s5+s23] =	stream.strided.scatter [tilespmem:s16], [sflag:$0x5], $0x2000, s15, s23, $0x38;
	[tilespmem:$0xE400] =	vst v63  }
0x66: {  	_ =	swait.ge [sflag:s24], $0x2000  }
0x67: {  	[sflag:s24] =	ssyncset.done $0x0  }
0x68: {  	[sflag:s24] =	ssyncadd.s32 $0xFFFFE000  }
0x69: {  	_ =	swait.ge [sflag:s25], $0x2000  }
0x6a: {  	[sflag:s25] =	ssyncset.done $0x0  }
0x6b: {  	[sflag:s25] =	ssyncadd.s32 $0xFFFFE000  }
0x6c: {  	[hbm4b:s6+s23] =	stream.strided.scatter [tilespmem:s17], [sflag:$0x6], $0x2000, s15, s23, $0x38;
	[tilespmem:$0xE400] =	vst v63  }
0x6d: {  	_ =	swait.ge [sflag:s26], $0x2000  }
0x6e: {  	[sflag:s26] =	ssyncset.done $0x0  }
0x6f: {  	[sflag:s26] =	ssyncadd.s32 $0xFFFFE000  }
0x70: {  	_ =	swait.ge [sflag:s28], $0x2000  }
0x71: {  	[sflag:s28] =	ssyncset.done $0x0  }
0x72: {  	[sflag:s28] =	ssyncadd.s32 $0xFFFFE000  }
0x73: {  	[hbm4b:s7+s23] =	stream.strided.scatter [tilespmem:s19], [sflag:$0x7], $0x2000, s15, s23, $0x38;
	[tilespmem:$0xE400] =	vst v63  }
0x74: {  	_ =	swait.ge [sflag:s29], $0x2000  }
0x75: {  	[sflag:s29] =	ssyncset.done $0x0  }
0x76: {  	[sflag:s29] =	ssyncadd.s32 $0xFFFFE000  }
0x77: {  	s0 =	sadd.s32 $0x1, s0;
	_ =	swait.ge [sflag:s30], $0x2000  }
0x78: {  	p0 =	sne.s32 s0, s9;
	[sflag:s30] =	ssyncset.done $0x0  }
.Ltmp1:
0x79: {  	[sflag:s30] =	ssyncadd.s32 $0xFFFFE000;
	(pc) =	sbr.rel @p0 .LBB2_1-.Ltmp1, $4  }
0x7a: {  	[hbm4b:s8+s23] =	stream.strided.scatter [tilespmem:s21], [sflag:$0x8], $0x2000, s15, s23, $0x38;
	[tilespmem:$0xE400] =	vst v63  }
0x7b: {  	_ =	swait.ge [sflag:s31], $0x2000  }
0x7c: {  	[sflag:s31] =	ssyncset.done $0x0  }
0x7d: {  	[sflag:s31] =	ssyncadd.s32 $0xFFFFE000  }
0x7e: {  	_ =	sfence.sel $0x180000  }
0x7f: {  	[bflag:$0x0] =	sbarrier.arrive $0xFFFF  }
0x80: {  	_ =	strace $0x90000047  }
0x81: {  	s0 =	stileid.u32;
	[bflag:$0x2] =	sbarrier.arrive $0xFFFF  }
0x82: {  	p0 =	sne.s32 s0, $0x0;
	s0 =	rddreg [dreg:$0x2]  }
0x83: {  	s0 =	sadd.s32 @!p0 $0x100000, s0  }
0x84: {  	[sflag:s0] =	ssyncadd.tile.s32 @!p0 $0x1;
	_ =	shalt  }
.Lfunc_end2:
_tile_overlayer_lowered:
.L_overlay_start_2:
0x85: {  	(tag) =	ssettag $0x2  }
0x86: {  	s0 =	rddreg [dreg:$0x0];
	s2 =	stileid.u32  }
0x87: {  	s1 =	rddreg [dreg:$0x1];
	p0 =	sne.s32 s2, $0x0  }
0x88: {  	s3 =	rddreg [dreg:$0x2];
	[bflag:$0x3] =	sbarrier.arrive $0xFFFF;
	s2 =	simm.s32 @!p0 $0x1C09  }
0x89: {  	[timem:s3], [sflag:s2] =	dma.local @!p0 [hbm:s0], s1  }
0x8a: {  	s0 =	simm.s32 @!p0 $0x9  }
0x8b: {  	_ =	swait.ge @!p0 [sflag:s0], s1  }
0x8c: {  	s1 =	ssub.s32 @!p0 $0x0, s1;
	[sflag:s0] =	ssyncset.done @!p0 $0x0  }
0x8d: {  	[sflag:s0] =	ssyncadd.s32 @!p0 s1  }
0x8e: {  	[bflag:$0x3] =	sbarrier.arrive $0xFFFF  }
0x8f: {  	_ =	shalt  }

</sc_bundles>
